<compile_context>
chip_gen: v7x
topology: tpu7x:2x2x1
jax: 0.10.2.dev20260603
libtpu: 0.0.44.dev20260713+nightly
codegen_flags: <defaults>
</compile_context>

<pallas_src>
import functools

import jax
import jax.numpy as jnp
from jax import lax
from jax.experimental import pallas as pl
from jax.experimental.pallas import tpu as pltpu
from jax.experimental.pallas import tpu_sc as plsc

BATCH = 4096
SEQ = 200
HIDDEN = 64
PAD = 2 * HIDDEN
NUM_TOKENS = BATCH * SEQ
NUM_WORKERS = 32
B_PER_W = BATCH // NUM_WORKERS
TOK_W = B_PER_W * SEQ
CH = 128
GT = 512
CPG = GT // CH
NG = TOK_W // GT


@jax.jit
def _embed(tokens, table):
    mesh = plsc.VectorSubcoreMesh(core_axis_name="c", subcore_axis_name="s")

    @functools.partial(
        pl.kernel,
        mesh=mesh,
        compiler_params=pltpu.CompilerParams(use_tc_tiling_on_sc=False),
        out_type=jax.ShapeDtypeStruct((NUM_TOKENS, PAD), jnp.float32),
        scratch_types=[
            pltpu.VMEM((TOK_W,), jnp.int32),
            pltpu.VMEM((GT, HIDDEN), jnp.float32),
            pltpu.VMEM((GT, HIDDEN), jnp.float32),
            pltpu.SemaphoreType.DMA,
            pltpu.SemaphoreType.DMA,
            pltpu.SemaphoreType.DMA,
            pltpu.SemaphoreType.DMA,
        ],
    )
    def k(tok_hbm, table_hbm, out_hbm, idx_v, buf_a, buf_b, gsem_a, gsem_b,
          osem_a, osem_b):
        wid = lax.axis_index("s") * 2 + lax.axis_index("c")
        t0 = wid * TOK_W
        pltpu.sync_copy(tok_hbm.at[pl.ds(t0, TOK_W)], idx_v)

        def fire(g, buf, gsem):
            for j in range(CPG):
                pltpu.async_copy(
                    table_hbm.at[idx_v.at[pl.ds(g * GT + j * CH, CH)]],
                    buf.at[pl.ds(j * CH, CH)],
                    gsem,
                )

        def drain(buf, gsem):
            for j in range(CPG):
                pltpu.make_async_copy(
                    table_hbm.at[idx_v.at[pl.ds(0, CH)]],
                    buf.at[pl.ds(j * CH, CH)],
                    gsem,
                ).wait()

        def out_slice(g):
            return out_hbm.at[pl.ds(t0 + g * GT, GT), pl.ds(0, HIDDEN)]

        def store(g, buf, osem):
            pltpu.async_copy(buf, out_slice(g), osem)

        def store_wait(g, buf, osem):
            pltpu.make_async_copy(buf, out_slice(g), osem).wait()

        fire(0, buf_a, gsem_a)
        fire(1, buf_b, gsem_b)
        drain(buf_a, gsem_a)
        store(0, buf_a, osem_a)

        def body(i, carry):
            store_wait(2 * i, buf_a, osem_a)
            fire(2 * i + 2, buf_a, gsem_a)
            drain(buf_b, gsem_b)
            store(2 * i + 1, buf_b, osem_b)
            store_wait(2 * i + 1, buf_b, osem_b)
            fire(2 * i + 3, buf_b, gsem_b)
            drain(buf_a, gsem_a)
            store(2 * i + 2, buf_a, osem_a)
            return carry

        lax.fori_loop(0, (NG - 2) // 2, body, 0)

        drain(buf_b, gsem_b)
        store(NG - 1, buf_b, osem_b)
        store_wait(NG - 2, buf_a, osem_a)
        store_wait(NG - 1, buf_b, osem_b)

    return k(tokens, table)


def kernel(tokens, embedding_weight):
    out = _embed(tokens.astype(jnp.int32).ravel(), embedding_weight)
    return out.reshape(BATCH, SEQ, PAD)[..., :HIDDEN]

# --- scband reference (transcript-rebuilt; emitter-appended) ---
"""Pipeline reference for scband-embedding-table-13314398618196 (READ-ONLY COPY).

The authoritative reference and input builder live on the scoring server;
editing this copy changes nothing except your own understanding.
"""

import jax, jax.numpy as jnp
import numpy as np

VOCAB_SIZE = 1000000
HIDDEN_SIZE = 64

def setup_inputs(seed: int = 0) -> dict:
    key = jax.random.key(seed)
    k_tok, k_w = jax.random.split(key)
    tokens = jax.random.randint(k_tok, (4096, 200), 0, VOCAB_SIZE, dtype=jnp.int64 if jax.config.jax_enable_x64 else jnp.int32)
    embedding_weight = jax.random.normal(k_w, (VOCAB_SIZE, HIDDEN_SIZE), dtype=jnp.float32)
    return {"tokens": tokens, "embedding_weight": embedding_weight}

def reference(tokens, embedding_weight):
    # F.embedding(tokens, weight) -> gather rows
    return jnp.take(embedding_weight, tokens, axis=0)

if __name__ == "__main__":
    import jax
    _d = setup_inputs()
    print(jax.jit(kernel)(*tuple(_d.values())))

</pallas_src>

<mosaic_0001>
#map = affine_map<(d0, d1) -> (0)>
#map1 = affine_map<(d0, d1) -> (0, 0)>
module attributes {stable_mosaic.version = 14 : i64} {
  func.func @k(%arg0: i32, %arg1: i32, %arg2: memref<819200xi32, #tpu.memory_space<hbm>>, %arg3: memref<1000000x64xf32, #tpu.memory_space<hbm>>, %arg4: memref<819200x128xf32, #tpu.memory_space<hbm>>, %arg5: memref<25600xi32, #tpu.memory_space<vmem>>, %arg6: memref<512x64xf32, #tpu.memory_space<vmem>>, %arg7: memref<512x64xf32, #tpu.memory_space<vmem>>, %arg8: memref<!tpu.dma_semaphore, #tpu.memory_space<semaphore_mem>>, %arg9: memref<!tpu.dma_semaphore, #tpu.memory_space<semaphore_mem>>, %arg10: memref<!tpu.dma_semaphore, #tpu.memory_space<semaphore_mem>>, %arg11: memref<!tpu.dma_semaphore, #tpu.memory_space<semaphore_mem>>) attributes {dimension_semantics = [#tpu.dimension_semantics<core_parallel>, #tpu.dimension_semantics<subcore_parallel>], iteration_bounds = array<i64: 2, 16>, scalar_prefetch = 0 : i64, scratch_operands = 7 : i64, tpu.core_type = #tpu.core_type<sc_vector_subcore>, window_params = [{transform_indices = #map}, {transform_indices = #map1}, {transform_indices = #map1}]} {
    %mul3A = arith.constant 2 : i32
    %mul3A_0 = arith.muli %arg1, %mul3A : i32
    %add3A = arith.addi %mul3A_0, %arg0 : i32
    %mul3A_1 = arith.constant 25600 : i32
    %mul3A_2 = arith.muli %add3A, %mul3A_1 : i32
    "tpu.region"() ({
      %run_scoped3A = tpu.sem_alloc : memref<!tpu.dma_semaphore, #tpu.memory_space<semaphore_mem>>
      %dma_start3A_158 = tpu.memref_slice %arg2[%mul3A_2] : memref<819200xi32, #tpu.memory_space<hbm>> -> memref<25600xi32, #tpu.memory_space<hbm>>
      %dma_start3A_159 = tpu.memref_slice %arg2[%mul3A_2] : memref<819200xi32, #tpu.memory_space<hbm>> -> memref<25600xi32, #tpu.memory_space<hbm>>
      tpu.enqueue_dma source(%dma_start3A_159 : memref<25600xi32, #tpu.memory_space<hbm>>) target(%arg5 : memref<25600xi32, #tpu.memory_space<vmem>>) target_semaphore(%run_scoped3A : memref<!tpu.dma_semaphore, #tpu.memory_space<semaphore_mem>>)
      %dma_wait3A_160 = tpu.memref_slice %arg2[%mul3A_2] : memref<819200xi32, #tpu.memory_space<hbm>> -> memref<25600xi32, #tpu.memory_space<hbm>>
      %dma_wait3A_161 = tpu.memref_slice %arg2[%mul3A_2] : memref<819200xi32, #tpu.memory_space<hbm>> -> memref<25600xi32, #tpu.memory_space<hbm>>
      tpu.wait_dma2 semaphore(%run_scoped3A : memref<!tpu.dma_semaphore, #tpu.memory_space<semaphore_mem>>) src(%dma_wait3A_161 : memref<25600xi32, #tpu.memory_space<hbm>>) dst(%arg5 : memref<25600xi32, #tpu.memory_space<vmem>>)
      tpu.yield
    }) : () -> ()
    %dma_start3A = arith.constant 0 : i32
    %dma_start3A_3 = arith.constant 0 : i32
    %dma_start3A_4 = tpu.memref_slice %arg6[%dma_start3A, %dma_start3A_3] : memref<512x64xf32, #tpu.memory_space<vmem>> -> memref<128x64xf32, #tpu.memory_space<vmem>>
    %dma_start3A_5 = arith.constant 0 : i32
    %dma_start3A_6 = tpu.memref_slice %arg5[%dma_start3A_5] : memref<25600xi32, #tpu.memory_space<vmem>> -> memref<128xi32, #tpu.memory_space<vmem>>
    %dma_start3A_7 = arith.constant 0 : i32
    %dma_start3A_8 = arith.constant 0 : i32
    %dma_start3A_9 = tpu.memref_slice %arg3[%dma_start3A_7, %dma_start3A_8] : memref<1000000x64xf32, #tpu.memory_space<hbm>> -> memref<1000000x64xf32, #tpu.memory_space<hbm>>
    tpu.enqueue_indirect_dma source(%dma_start3A_9 : memref<1000000x64xf32, #tpu.memory_space<hbm>>) target(%dma_start3A_4 : memref<128x64xf32, #tpu.memory_space<vmem>>) offsets(%dma_start3A_6 : memref<128xi32, #tpu.memory_space<vmem>>) semaphore(%arg8 : memref<!tpu.dma_semaphore, #tpu.memory_space<semaphore_mem>>)
    %dma_start3A_10 = arith.constant 128 : i32
    %dma_start3A_11 = arith.constant 0 : i32
    %dma_start3A_12 = tpu.memref_slice %arg6[%dma_start3A_10, %dma_start3A_11] : memref<512x64xf32, #tpu.memory_space<vmem>> -> memref<128x64xf32, #tpu.memory_space<vmem>>
    %dma_start3A_13 = arith.constant 128 : i32
    %dma_start3A_14 = tpu.memref_slice %arg5[%dma_start3A_13] : memref<25600xi32, #tpu.memory_space<vmem>> -> memref<128xi32, #tpu.memory_space<vmem>>
    %dma_start3A_15 = arith.constant 0 : i32
    %dma_start3A_16 = arith.constant 0 : i32
    %dma_start3A_17 = tpu.memref_slice %arg3[%dma_start3A_15, %dma_start3A_16] : memref<1000000x64xf32, #tpu.memory_space<hbm>> -> memref<1000000x64xf32, #tpu.memory_space<hbm>>
    tpu.enqueue_indirect_dma source(%dma_start3A_17 : memref<1000000x64xf32, #tpu.memory_space<hbm>>) target(%dma_start3A_12 : memref<128x64xf32, #tpu.memory_space<vmem>>) offsets(%dma_start3A_14 : memref<128xi32, #tpu.memory_space<vmem>>) semaphore(%arg8 : memref<!tpu.dma_semaphore, #tpu.memory_space<semaphore_mem>>)
    %dma_start3A_18 = arith.constant 256 : i32
    %dma_start3A_19 = arith.constant 0 : i32
    %dma_start3A_20 = tpu.memref_slice %arg6[%dma_start3A_18, %dma_start3A_19] : memref<512x64xf32, #tpu.memory_space<vmem>> -> memref<128x64xf32, #tpu.memory_space<vmem>>
    %dma_start3A_21 = arith.constant 256 : i32
    %dma_start3A_22 = tpu.memref_slice %arg5[%dma_start3A_21] : memref<25600xi32, #tpu.memory_space<vmem>> -> memref<128xi32, #tpu.memory_space<vmem>>
    %dma_start3A_23 = arith.constant 0 : i32
    %dma_start3A_24 = arith.constant 0 : i32
    %dma_start3A_25 = tpu.memref_slice %arg3[%dma_start3A_23, %dma_start3A_24] : memref<1000000x64xf32, #tpu.memory_space<hbm>> -> memref<1000000x64xf32, #tpu.memory_space<hbm>>
    tpu.enqueue_indirect_dma source(%dma_start3A_25 : memref<1000000x64xf32, #tpu.memory_space<hbm>>) target(%dma_start3A_20 : memref<128x64xf32, #tpu.memory_space<vmem>>) offsets(%dma_start3A_22 : memref<128xi32, #tpu.memory_space<vmem>>) semaphore(%arg8 : memref<!tpu.dma_semaphore, #tpu.memory_space<semaphore_mem>>)
    %dma_start3A_26 = arith.constant 384 : i32
    %dma_start3A_27 = arith.constant 0 : i32
    %dma_start3A_28 = tpu.memref_slice %arg6[%dma_start3A_26, %dma_start3A_27] : memref<512x64xf32, #tpu.memory_space<vmem>> -> memref<128x64xf32, #tpu.memory_space<vmem>>
    %dma_start3A_29 = arith.constant 384 : i32
    %dma_start3A_30 = tpu.memref_slice %arg5[%dma_start3A_29] : memref<25600xi32, #tpu.memory_space<vmem>> -> memref<128xi32, #tpu.memory_space<vmem>>
    %dma_start3A_31 = arith.constant 0 : i32
    %dma_start3A_32 = arith.constant 0 : i32
    %dma_start3A_33 = tpu.memref_slice %arg3[%dma_start3A_31, %dma_start3A_32] : memref<1000000x64xf32, #tpu.memory_space<hbm>> -> memref<1000000x64xf32, #tpu.memory_space<hbm>>
    tpu.enqueue_indirect_dma source(%dma_start3A_33 : memref<1000000x64xf32, #tpu.memory_space<hbm>>) target(%dma_start3A_28 : memref<128x64xf32, #tpu.memory_space<vmem>>) offsets(%dma_start3A_30 : memref<128xi32, #tpu.memory_space<vmem>>) semaphore(%arg8 : memref<!tpu.dma_semaphore, #tpu.memory_space<semaphore_mem>>)
    %dma_start3A_34 = arith.constant 0 : i32
    %dma_start3A_35 = arith.constant 0 : i32
    %dma_start3A_36 = tpu.memref_slice %arg7[%dma_start3A_34, %dma_start3A_35] : memref<512x64xf32, #tpu.memory_space<vmem>> -> memref<128x64xf32, #tpu.memory_space<vmem>>
    %dma_start3A_37 = arith.constant 512 : i32
    %dma_start3A_38 = tpu.memref_slice %arg5[%dma_start3A_37] : memref<25600xi32, #tpu.memory_space<vmem>> -> memref<128xi32, #tpu.memory_space<vmem>>
    %dma_start3A_39 = arith.constant 0 : i32
    %dma_start3A_40 = arith.constant 0 : i32
    %dma_start3A_41 = tpu.memref_slice %arg3[%dma_start3A_39, %dma_start3A_40] : memref<1000000x64xf32, #tpu.memory_space<hbm>> -> memref<1000000x64xf32, #tpu.memory_space<hbm>>
    tpu.enqueue_indirect_dma source(%dma_start3A_41 : memref<1000000x64xf32, #tpu.memory_space<hbm>>) target(%dma_start3A_36 : memref<128x64xf32, #tpu.memory_space<vmem>>) offsets(%dma_start3A_38 : memref<128xi32, #tpu.memory_space<vmem>>) semaphore(%arg9 : memref<!tpu.dma_semaphore, #tpu.memory_space<semaphore_mem>>)
    %dma_start3A_42 = arith.constant 128 : i32
    %dma_start3A_43 = arith.constant 0 : i32
    %dma_start3A_44 = tpu.memref_slice %arg7[%dma_start3A_42, %dma_start3A_43] : memref<512x64xf32, #tpu.memory_space<vmem>> -> memref<128x64xf32, #tpu.memory_space<vmem>>
    %dma_start3A_45 = arith.constant 640 : i32
    %dma_start3A_46 = tpu.memref_slice %arg5[%dma_start3A_45] : memref<25600xi32, #tpu.memory_space<vmem>> -> memref<128xi32, #tpu.memory_space<vmem>>
    %dma_start3A_47 = arith.constant 0 : i32
    %dma_start3A_48 = arith.constant 0 : i32
    %dma_start3A_49 = tpu.memref_slice %arg3[%dma_start3A_47, %dma_start3A_48] : memref<1000000x64xf32, #tpu.memory_space<hbm>> -> memref<1000000x64xf32, #tpu.memory_space<hbm>>
    tpu.enqueue_indirect_dma source(%dma_start3A_49 : memref<1000000x64xf32, #tpu.memory_space<hbm>>) target(%dma_start3A_44 : memref<128x64xf32, #tpu.memory_space<vmem>>) offsets(%dma_start3A_46 : memref<128xi32, #tpu.memory_space<vmem>>) semaphore(%arg9 : memref<!tpu.dma_semaphore, #tpu.memory_space<semaphore_mem>>)
    %dma_start3A_50 = arith.constant 256 : i32
    %dma_start3A_51 = arith.constant 0 : i32
    %dma_start3A_52 = tpu.memref_slice %arg7[%dma_start3A_50, %dma_start3A_51] : memref<512x64xf32, #tpu.memory_space<vmem>> -> memref<128x64xf32, #tpu.memory_space<vmem>>
    %dma_start3A_53 = arith.constant 768 : i32
    %dma_start3A_54 = tpu.memref_slice %arg5[%dma_start3A_53] : memref<25600xi32, #tpu.memory_space<vmem>> -> memref<128xi32, #tpu.memory_space<vmem>>
    %dma_start3A_55 = arith.constant 0 : i32
    %dma_start3A_56 = arith.constant 0 : i32
    %dma_start3A_57 = tpu.memref_slice %arg3[%dma_start3A_55, %dma_start3A_56] : memref<1000000x64xf32, #tpu.memory_space<hbm>> -> memref<1000000x64xf32, #tpu.memory_space<hbm>>
    tpu.enqueue_indirect_dma source(%dma_start3A_57 : memref<1000000x64xf32, #tpu.memory_space<hbm>>) target(%dma_start3A_52 : memref<128x64xf32, #tpu.memory_space<vmem>>) offsets(%dma_start3A_54 : memref<128xi32, #tpu.memory_space<vmem>>) semaphore(%arg9 : memref<!tpu.dma_semaphore, #tpu.memory_space<semaphore_mem>>)
    %dma_start3A_58 = arith.constant 384 : i32
    %dma_start3A_59 = arith.constant 0 : i32
    %dma_start3A_60 = tpu.memref_slice %arg7[%dma_start3A_58, %dma_start3A_59] : memref<512x64xf32, #tpu.memory_space<vmem>> -> memref<128x64xf32, #tpu.memory_space<vmem>>
    %dma_start3A_61 = arith.constant 896 : i32
    %dma_start3A_62 = tpu.memref_slice %arg5[%dma_start3A_61] : memref<25600xi32, #tpu.memory_space<vmem>> -> memref<128xi32, #tpu.memory_space<vmem>>
    %dma_start3A_63 = arith.constant 0 : i32
    %dma_start3A_64 = arith.constant 0 : i32
    %dma_start3A_65 = tpu.memref_slice %arg3[%dma_start3A_63, %dma_start3A_64] : memref<1000000x64xf32, #tpu.memory_space<hbm>> -> memref<1000000x64xf32, #tpu.memory_space<hbm>>
    tpu.enqueue_indirect_dma source(%dma_start3A_65 : memref<1000000x64xf32, #tpu.memory_space<hbm>>) target(%dma_start3A_60 : memref<128x64xf32, #tpu.memory_space<vmem>>) offsets(%dma_start3A_62 : memref<128xi32, #tpu.memory_space<vmem>>) semaphore(%arg9 : memref<!tpu.dma_semaphore, #tpu.memory_space<semaphore_mem>>)
    %dma_wait3A = arith.constant 0 : i32
    %dma_wait3A_66 = arith.constant 0 : i32
    %dma_wait3A_67 = tpu.memref_slice %arg6[%dma_wait3A, %dma_wait3A_66] : memref<512x64xf32, #tpu.memory_space<vmem>> -> memref<128x64xf32, #tpu.memory_space<vmem>>
    %dma_wait3A_68 = arith.constant 0 : i32
    %dma_wait3A_69 = tpu.memref_slice %arg5[%dma_wait3A_68] : memref<25600xi32, #tpu.memory_space<vmem>> -> memref<128xi32, #tpu.memory_space<vmem>>
    %dma_wait3A_70 = arith.constant 0 : i32
    %dma_wait3A_71 = arith.constant 0 : i32
    %dma_wait3A_72 = tpu.memref_slice %arg3[%dma_wait3A_70, %dma_wait3A_71] : memref<1000000x64xf32, #tpu.memory_space<hbm>> -> memref<1000000x64xf32, #tpu.memory_space<hbm>>
    tpu.wait_indirect_dma semaphore(%arg8 : memref<!tpu.dma_semaphore, #tpu.memory_space<semaphore_mem>>) src(%dma_wait3A_72 : memref<1000000x64xf32, #tpu.memory_space<hbm>>) dst(%dma_wait3A_67 : memref<128x64xf32, #tpu.memory_space<vmem>>)
    %dma_wait3A_73 = arith.constant 128 : i32
    %dma_wait3A_74 = arith.constant 0 : i32
    %dma_wait3A_75 = tpu.memref_slice %arg6[%dma_wait3A_73, %dma_wait3A_74] : memref<512x64xf32, #tpu.memory_space<vmem>> -> memref<128x64xf32, #tpu.memory_space<vmem>>
    %dma_wait3A_76 = arith.constant 0 : i32
    %dma_wait3A_77 = tpu.memref_slice %arg5[%dma_wait3A_76] : memref<25600xi32, #tpu.memory_space<vmem>> -> memref<128xi32, #tpu.memory_space<vmem>>
    %dma_wait3A_78 = arith.constant 0 : i32
    %dma_wait3A_79 = arith.constant 0 : i32
    %dma_wait3A_80 = tpu.memref_slice %arg3[%dma_wait3A_78, %dma_wait3A_79] : memref<1000000x64xf32, #tpu.memory_space<hbm>> -> memref<1000000x64xf32, #tpu.memory_space<hbm>>
    tpu.wait_indirect_dma semaphore(%arg8 : memref<!tpu.dma_semaphore, #tpu.memory_space<semaphore_mem>>) src(%dma_wait3A_80 : memref<1000000x64xf32, #tpu.memory_space<hbm>>) dst(%dma_wait3A_75 : memref<128x64xf32, #tpu.memory_space<vmem>>)
    %dma_wait3A_81 = arith.constant 256 : i32
    %dma_wait3A_82 = arith.constant 0 : i32
    %dma_wait3A_83 = tpu.memref_slice %arg6[%dma_wait3A_81, %dma_wait3A_82] : memref<512x64xf32, #tpu.memory_space<vmem>> -> memref<128x64xf32, #tpu.memory_space<vmem>>
    %dma_wait3A_84 = arith.constant 0 : i32
    %dma_wait3A_85 = tpu.memref_slice %arg5[%dma_wait3A_84] : memref<25600xi32, #tpu.memory_space<vmem>> -> memref<128xi32, #tpu.memory_space<vmem>>
    %dma_wait3A_86 = arith.constant 0 : i32
    %dma_wait3A_87 = arith.constant 0 : i32
    %dma_wait3A_88 = tpu.memref_slice %arg3[%dma_wait3A_86, %dma_wait3A_87] : memref<1000000x64xf32, #tpu.memory_space<hbm>> -> memref<1000000x64xf32, #tpu.memory_space<hbm>>
    tpu.wait_indirect_dma semaphore(%arg8 : memref<!tpu.dma_semaphore, #tpu.memory_space<semaphore_mem>>) src(%dma_wait3A_88 : memref<1000000x64xf32, #tpu.memory_space<hbm>>) dst(%dma_wait3A_83 : memref<128x64xf32, #tpu.memory_space<vmem>>)
    %dma_wait3A_89 = arith.constant 384 : i32
    %dma_wait3A_90 = arith.constant 0 : i32
    %dma_wait3A_91 = tpu.memref_slice %arg6[%dma_wait3A_89, %dma_wait3A_90] : memref<512x64xf32, #tpu.memory_space<vmem>> -> memref<128x64xf32, #tpu.memory_space<vmem>>
    %dma_wait3A_92 = arith.constant 0 : i32
    %dma_wait3A_93 = tpu.memref_slice %arg5[%dma_wait3A_92] : memref<25600xi32, #tpu.memory_space<vmem>> -> memref<128xi32, #tpu.memory_space<vmem>>
    %dma_wait3A_94 = arith.constant 0 : i32
    %dma_wait3A_95 = arith.constant 0 : i32
    %dma_wait3A_96 = tpu.memref_slice %arg3[%dma_wait3A_94, %dma_wait3A_95] : memref<1000000x64xf32, #tpu.memory_space<hbm>> -> memref<1000000x64xf32, #tpu.memory_space<hbm>>
    tpu.wait_indirect_dma semaphore(%arg8 : memref<!tpu.dma_semaphore, #tpu.memory_space<semaphore_mem>>) src(%dma_wait3A_96 : memref<1000000x64xf32, #tpu.memory_space<hbm>>) dst(%dma_wait3A_91 : memref<128x64xf32, #tpu.memory_space<vmem>>)
    %add3A_97 = arith.constant 0 : i32
    %add3A_98 = arith.addi %mul3A_2, %add3A_97 : i32
    %dma_start3A_99 = arith.constant 0 : i32
    %dma_start3A_100 = tpu.memref_slice %arg4[%add3A_98, %dma_start3A_99] : memref<819200x128xf32, #tpu.memory_space<hbm>> -> memref<512x64xf32, #tpu.memory_space<hbm>>
    %dma_start3A_101 = arith.constant 0 : i32
    %dma_start3A_102 = tpu.memref_slice %arg4[%add3A_98, %dma_start3A_101] : memref<819200x128xf32, #tpu.memory_space<hbm>> -> memref<512x64xf32, #tpu.memory_space<hbm>>
    tpu.enqueue_dma source(%arg6 : memref<512x64xf32, #tpu.memory_space<vmem>>) target(%dma_start3A_102 : memref<512x64xf32, #tpu.memory_space<hbm>>) target_semaphore(%arg10 : memref<!tpu.dma_semaphore, #tpu.memory_space<semaphore_mem>>)
    %scan3A = arith.constant 0 : i32
    %scan3A_103 = arith.constant 0 : i32
    %scan3A_104 = arith.constant 24 : i32
    %scan3A_105 = arith.addi %scan3A_103, %scan3A_104 : i32
    %scan3A_106 = arith.constant 1 : i32
    scf.for %scan3A_158 = %scan3A_103 to %scan3A_105 step %scan3A_106  : i32 {
      %mul3A_159 = arith.constant 2 : i32
      %mul3A_160 = arith.muli %mul3A_159, %scan3A_158 : i32
      %mul3A_161 = arith.constant 512 : i32
      %mul3A_162 = arith.muli %mul3A_160, %mul3A_161 : i32
      %add3A_163 = arith.addi %mul3A_2, %mul3A_162 : i32
      %dma_wait3A_164 = arith.constant 0 : i32
      %dma_wait3A_165 = tpu.memref_slice %arg4[%add3A_163, %dma_wait3A_164] : memref<819200x128xf32, #tpu.memory_space<hbm>> -> memref<512x64xf32, #tpu.memory_space<hbm>>
      %dma_wait3A_166 = arith.constant 0 : i32
      %dma_wait3A_167 = tpu.memref_slice %arg4[%add3A_163, %dma_wait3A_166] : memref<819200x128xf32, #tpu.memory_space<hbm>> -> memref<512x64xf32, #tpu.memory_space<hbm>>
      tpu.wait_dma2 semaphore(%arg10 : memref<!tpu.dma_semaphore, #tpu.memory_space<semaphore_mem>>) src(%arg6 : memref<512x64xf32, #tpu.memory_space<vmem>>) dst(%dma_wait3A_167 : memref<512x64xf32, #tpu.memory_space<hbm>>)
      %mul3A_168 = arith.constant 2 : i32
      %mul3A_169 = arith.muli %mul3A_168, %scan3A_158 : i32
      %add3A_170 = arith.constant 2 : i32
      %add3A_171 = arith.addi %mul3A_169, %add3A_170 : i32
      %mul3A_172 = arith.constant 512 : i32
      %mul3A_173 = arith.muli %add3A_171, %mul3A_172 : i32
      %add3A_174 = arith.constant 0 : i32
      %add3A_175 = arith.addi %mul3A_173, %add3A_174 : i32
      %dma_start3A_176 = arith.constant 0 : i32
      %dma_start3A_177 = arith.constant 0 : i32
      %dma_start3A_178 = tpu.memref_slice %arg6[%dma_start3A_176, %dma_start3A_177] : memref<512x64xf32, #tpu.memory_space<vmem>> -> memref<128x64xf32, #tpu.memory_space<vmem>>
      %dma_start3A_179 = tpu.memref_slice %arg5[%add3A_175] : memref<25600xi32, #tpu.memory_space<vmem>> -> memref<128xi32, #tpu.memory_space<vmem>>
      %dma_start3A_180 = arith.constant 0 : i32
      %dma_start3A_181 = arith.constant 0 : i32
      %dma_start3A_182 = tpu.memref_slice %arg3[%dma_start3A_180, %dma_start3A_181] : memref<1000000x64xf32, #tpu.memory_space<hbm>> -> memref<1000000x64xf32, #tpu.memory_space<hbm>>
      tpu.enqueue_indirect_dma source(%dma_start3A_182 : memref<1000000x64xf32, #tpu.memory_space<hbm>>) target(%dma_start3A_178 : memref<128x64xf32, #tpu.memory_space<vmem>>) offsets(%dma_start3A_179 : memref<128xi32, #tpu.memory_space<vmem>>) semaphore(%arg8 : memref<!tpu.dma_semaphore, #tpu.memory_space<semaphore_mem>>)
      %mul3A_183 = arith.constant 512 : i32
      %mul3A_184 = arith.muli %add3A_171, %mul3A_183 : i32
      %add3A_185 = arith.constant 128 : i32
      %add3A_186 = arith.addi %mul3A_184, %add3A_185 : i32
      %dma_start3A_187 = arith.constant 128 : i32
      %dma_start3A_188 = arith.constant 0 : i32
      %dma_start3A_189 = tpu.memref_slice %arg6[%dma_start3A_187, %dma_start3A_188] : memref<512x64xf32, #tpu.memory_space<vmem>> -> memref<128x64xf32, #tpu.memory_space<vmem>>
      %dma_start3A_190 = tpu.memref_slice %arg5[%add3A_186] : memref<25600xi32, #tpu.memory_space<vmem>> -> memref<128xi32, #tpu.memory_space<vmem>>
      %dma_start3A_191 = arith.constant 0 : i32
      %dma_start3A_192 = arith.constant 0 : i32
      %dma_start3A_193 = tpu.memref_slice %arg3[%dma_start3A_191, %dma_start3A_192] : memref<1000000x64xf32, #tpu.memory_space<hbm>> -> memref<1000000x64xf32, #tpu.memory_space<hbm>>
      tpu.enqueue_indirect_dma source(%dma_start3A_193 : memref<1000000x64xf32, #tpu.memory_space<hbm>>) target(%dma_start3A_189 : memref<128x64xf32, #tpu.memory_space<vmem>>) offsets(%dma_start3A_190 : memref<128xi32, #tpu.memory_space<vmem>>) semaphore(%arg8 : memref<!tpu.dma_semaphore, #tpu.memory_space<semaphore_mem>>)
      %mul3A_194 = arith.constant 512 : i32
      %mul3A_195 = arith.muli %add3A_171, %mul3A_194 : i32
      %add3A_196 = arith.constant 256 : i32
      %add3A_197 = arith.addi %mul3A_195, %add3A_196 : i32
      %dma_start3A_198 = arith.constant 256 : i32
      %dma_start3A_199 = arith.constant 0 : i32
      %dma_start3A_200 = tpu.memref_slice %arg6[%dma_start3A_198, %dma_start3A_199] : memref<512x64xf32, #tpu.memory_space<vmem>> -> memref<128x64xf32, #tpu.memory_space<vmem>>
      %dma_start3A_201 = tpu.memref_slice %arg5[%add3A_197] : memref<25600xi32, #tpu.memory_space<vmem>> -> memref<128xi32, #tpu.memory_space<vmem>>
      %dma_start3A_202 = arith.constant 0 : i32
      %dma_start3A_203 = arith.constant 0 : i32
      %dma_start3A_204 = tpu.memref_slice %arg3[%dma_start3A_202, %dma_start3A_203] : memref<1000000x64xf32, #tpu.memory_space<hbm>> -> memref<1000000x64xf32, #tpu.memory_space<hbm>>
      tpu.enqueue_indirect_dma source(%dma_start3A_204 : memref<1000000x64xf32, #tpu.memory_space<hbm>>) target(%dma_start3A_200 : memref<128x64xf32, #tpu.memory_space<vmem>>) offsets(%dma_start3A_201 : memref<128xi32, #tpu.memory_space<vmem>>) semaphore(%arg8 : memref<!tpu.dma_semaphore, #tpu.memory_space<semaphore_mem>>)
      %mul3A_205 = arith.constant 512 : i32
      %mul3A_206 = arith.muli %add3A_171, %mul3A_205 : i32
      %add3A_207 = arith.constant 384 : i32
      %add3A_208 = arith.addi %mul3A_206, %add3A_207 : i32
      %dma_start3A_209 = arith.constant 384 : i32
      %dma_start3A_210 = arith.constant 0 : i32
      %dma_start3A_211 = tpu.memref_slice %arg6[%dma_start3A_209, %dma_start3A_210] : memref<512x64xf32, #tpu.memory_space<vmem>> -> memref<128x64xf32, #tpu.memory_space<vmem>>
      %dma_start3A_212 = tpu.memref_slice %arg5[%add3A_208] : memref<25600xi32, #tpu.memory_space<vmem>> -> memref<128xi32, #tpu.memory_space<vmem>>
      %dma_start3A_213 = arith.constant 0 : i32
      %dma_start3A_214 = arith.constant 0 : i32
      %dma_start3A_215 = tpu.memref_slice %arg3[%dma_start3A_213, %dma_start3A_214] : memref<1000000x64xf32, #tpu.memory_space<hbm>> -> memref<1000000x64xf32, #tpu.memory_space<hbm>>
      tpu.enqueue_indirect_dma source(%dma_start3A_215 : memref<1000000x64xf32, #tpu.memory_space<hbm>>) target(%dma_start3A_211 : memref<128x64xf32, #tpu.memory_space<vmem>>) offsets(%dma_start3A_212 : memref<128xi32, #tpu.memory_space<vmem>>) semaphore(%arg8 : memref<!tpu.dma_semaphore, #tpu.memory_space<semaphore_mem>>)
      %dma_wait3A_216 = arith.constant 0 : i32
      %dma_wait3A_217 = arith.constant 0 : i32
      %dma_wait3A_218 = tpu.memref_slice %arg7[%dma_wait3A_216, %dma_wait3A_217] : memref<512x64xf32, #tpu.memory_space<vmem>> -> memref<128x64xf32, #tpu.memory_space<vmem>>
      %dma_wait3A_219 = arith.constant 0 : i32
      %dma_wait3A_220 = tpu.memref_slice %arg5[%dma_wait3A_219] : memref<25600xi32, #tpu.memory_space<vmem>> -> memref<128xi32, #tpu.memory_space<vmem>>
      %dma_wait3A_221 = arith.constant 0 : i32
      %dma_wait3A_222 = arith.constant 0 : i32
      %dma_wait3A_223 = tpu.memref_slice %arg3[%dma_wait3A_221, %dma_wait3A_222] : memref<1000000x64xf32, #tpu.memory_space<hbm>> -> memref<1000000x64xf32, #tpu.memory_space<hbm>>
      tpu.wait_indirect_dma semaphore(%arg9 : memref<!tpu.dma_semaphore, #tpu.memory_space<semaphore_mem>>) src(%dma_wait3A_223 : memref<1000000x64xf32, #tpu.memory_space<hbm>>) dst(%dma_wait3A_218 : memref<128x64xf32, #tpu.memory_space<vmem>>)
      %dma_wait3A_224 = arith.constant 128 : i32
      %dma_wait3A_225 = arith.constant 0 : i32
      %dma_wait3A_226 = tpu.memref_slice %arg7[%dma_wait3A_224, %dma_wait3A_225] : memref<512x64xf32, #tpu.memory_space<vmem>> -> memref<128x64xf32, #tpu.memory_space<vmem>>
      %dma_wait3A_227 = arith.constant 0 : i32
      %dma_wait3A_228 = tpu.memref_slice %arg5[%dma_wait3A_227] : memref<25600xi32, #tpu.memory_space<vmem>> -> memref<128xi32, #tpu.memory_space<vmem>>
      %dma_wait3A_229 = arith.constant 0 : i32
      %dma_wait3A_230 = arith.constant 0 : i32
      %dma_wait3A_231 = tpu.memref_slice %arg3[%dma_wait3A_229, %dma_wait3A_230] : memref<1000000x64xf32, #tpu.memory_space<hbm>> -> memref<1000000x64xf32, #tpu.memory_space<hbm>>
      tpu.wait_indirect_dma semaphore(%arg9 : memref<!tpu.dma_semaphore, #tpu.memory_space<semaphore_mem>>) src(%dma_wait3A_231 : memref<1000000x64xf32, #tpu.memory_space<hbm>>) dst(%dma_wait3A_226 : memref<128x64xf32, #tpu.memory_space<vmem>>)
      %dma_wait3A_232 = arith.constant 256 : i32
      %dma_wait3A_233 = arith.constant 0 : i32
      %dma_wait3A_234 = tpu.memref_slice %arg7[%dma_wait3A_232, %dma_wait3A_233] : memref<512x64xf32, #tpu.memory_space<vmem>> -> memref<128x64xf32, #tpu.memory_space<vmem>>
      %dma_wait3A_235 = arith.constant 0 : i32
      %dma_wait3A_236 = tpu.memref_slice %arg5[%dma_wait3A_235] : memref<25600xi32, #tpu.memory_space<vmem>> -> memref<128xi32, #tpu.memory_space<vmem>>
      %dma_wait3A_237 = arith.constant 0 : i32
      %dma_wait3A_238 = arith.constant 0 : i32
      %dma_wait3A_239 = tpu.memref_slice %arg3[%dma_wait3A_237, %dma_wait3A_238] : memref<1000000x64xf32, #tpu.memory_space<hbm>> -> memref<1000000x64xf32, #tpu.memory_space<hbm>>
      tpu.wait_indirect_dma semaphore(%arg9 : memref<!tpu.dma_semaphore, #tpu.memory_space<semaphore_mem>>) src(%dma_wait3A_239 : memref<1000000x64xf32, #tpu.memory_space<hbm>>) dst(%dma_wait3A_234 : memref<128x64xf32, #tpu.memory_space<vmem>>)
      %dma_wait3A_240 = arith.constant 384 : i32
      %dma_wait3A_241 = arith.constant 0 : i32
      %dma_wait3A_242 = tpu.memref_slice %arg7[%dma_wait3A_240, %dma_wait3A_241] : memref<512x64xf32, #tpu.memory_space<vmem>> -> memref<128x64xf32, #tpu.memory_space<vmem>>
      %dma_wait3A_243 = arith.constant 0 : i32
      %dma_wait3A_244 = tpu.memref_slice %arg5[%dma_wait3A_243] : memref<25600xi32, #tpu.memory_space<vmem>> -> memref<128xi32, #tpu.memory_space<vmem>>
      %dma_wait3A_245 = arith.constant 0 : i32
      %dma_wait3A_246 = arith.constant 0 : i32
      %dma_wait3A_247 = tpu.memref_slice %arg3[%dma_wait3A_245, %dma_wait3A_246] : memref<1000000x64xf32, #tpu.memory_space<hbm>> -> memref<1000000x64xf32, #tpu.memory_space<hbm>>
      tpu.wait_indirect_dma semaphore(%arg9 : memref<!tpu.dma_semaphore, #tpu.memory_space<semaphore_mem>>) src(%dma_wait3A_247 : memref<1000000x64xf32, #tpu.memory_space<hbm>>) dst(%dma_wait3A_242 : memref<128x64xf32, #tpu.memory_space<vmem>>)
      %mul3A_248 = arith.constant 2 : i32
      %mul3A_249 = arith.muli %mul3A_248, %scan3A_158 : i32
      %add3A_250 = arith.constant 1 : i32
      %add3A_251 = arith.addi %mul3A_249, %add3A_250 : i32
      %mul3A_252 = arith.constant 512 : i32
      %mul3A_253 = arith.muli %add3A_251, %mul3A_252 : i32
      %add3A_254 = arith.addi %mul3A_2, %mul3A_253 : i32
      %dma_start3A_255 = arith.constant 0 : i32
      %dma_start3A_256 = tpu.memref_slice %arg4[%add3A_254, %dma_start3A_255] : memref<819200x128xf32, #tpu.memory_space<hbm>> -> memref<512x64xf32, #tpu.memory_space<hbm>>
      %dma_start3A_257 = arith.constant 0 : i32
      %dma_start3A_258 = tpu.memref_slice %arg4[%add3A_254, %dma_start3A_257] : memref<819200x128xf32, #tpu.memory_space<hbm>> -> memref<512x64xf32, #tpu.memory_space<hbm>>
      tpu.enqueue_dma source(%arg7 : memref<512x64xf32, #tpu.memory_space<vmem>>) target(%dma_start3A_258 : memref<512x64xf32, #tpu.memory_space<hbm>>) target_semaphore(%arg11 : memref<!tpu.dma_semaphore, #tpu.memory_space<semaphore_mem>>)
      %mul3A_259 = arith.constant 2 : i32
      %mul3A_260 = arith.muli %mul3A_259, %scan3A_158 : i32
      %add3A_261 = arith.constant 1 : i32
      %add3A_262 = arith.addi %mul3A_260, %add3A_261 : i32
      %mul3A_263 = arith.constant 512 : i32
      %mul3A_264 = arith.muli %add3A_262, %mul3A_263 : i32
      %add3A_265 = arith.addi %mul3A_2, %mul3A_264 : i32
      %dma_wait3A_266 = arith.constant 0 : i32
      %dma_wait3A_267 = tpu.memref_slice %arg4[%add3A_265, %dma_wait3A_266] : memref<819200x128xf32, #tpu.memory_space<hbm>> -> memref<512x64xf32, #tpu.memory_space<hbm>>
      %dma_wait3A_268 = arith.constant 0 : i32
      %dma_wait3A_269 = tpu.memref_slice %arg4[%add3A_265, %dma_wait3A_268] : memref<819200x128xf32, #tpu.memory_space<hbm>> -> memref<512x64xf32, #tpu.memory_space<hbm>>
      tpu.wait_dma2 semaphore(%arg11 : memref<!tpu.dma_semaphore, #tpu.memory_space<semaphore_mem>>) src(%arg7 : memref<512x64xf32, #tpu.memory_space<vmem>>) dst(%dma_wait3A_269 : memref<512x64xf32, #tpu.memory_space<hbm>>)
      %mul3A_270 = arith.constant 2 : i32
      %mul3A_271 = arith.muli %mul3A_270, %scan3A_158 : i32
      %add3A_272 = arith.constant 3 : i32
      %add3A_273 = arith.addi %mul3A_271, %add3A_272 : i32
      %mul3A_274 = arith.constant 512 : i32
      %mul3A_275 = arith.muli %add3A_273, %mul3A_274 : i32
      %add3A_276 = arith.constant 0 : i32
      %add3A_277 = arith.addi %mul3A_275, %add3A_276 : i32
      %dma_start3A_278 = arith.constant 0 : i32
      %dma_start3A_279 = arith.constant 0 : i32
      %dma_start3A_280 = tpu.memref_slice %arg7[%dma_start3A_278, %dma_start3A_279] : memref<512x64xf32, #tpu.memory_space<vmem>> -> memref<128x64xf32, #tpu.memory_space<vmem>>
      %dma_start3A_281 = tpu.memref_slice %arg5[%add3A_277] : memref<25600xi32, #tpu.memory_space<vmem>> -> memref<128xi32, #tpu.memory_space<vmem>>
      %dma_start3A_282 = arith.constant 0 : i32
      %dma_start3A_283 = arith.constant 0 : i32
      %dma_start3A_284 = tpu.memref_slice %arg3[%dma_start3A_282, %dma_start3A_283] : memref<1000000x64xf32, #tpu.memory_space<hbm>> -> memref<1000000x64xf32, #tpu.memory_space<hbm>>
      tpu.enqueue_indirect_dma source(%dma_start3A_284 : memref<1000000x64xf32, #tpu.memory_space<hbm>>) target(%dma_start3A_280 : memref<128x64xf32, #tpu.memory_space<vmem>>) offsets(%dma_start3A_281 : memref<128xi32, #tpu.memory_space<vmem>>) semaphore(%arg9 : memref<!tpu.dma_semaphore, #tpu.memory_space<semaphore_mem>>)
      %mul3A_285 = arith.constant 512 : i32
      %mul3A_286 = arith.muli %add3A_273, %mul3A_285 : i32
      %add3A_287 = arith.constant 128 : i32
      %add3A_288 = arith.addi %mul3A_286, %add3A_287 : i32
      %dma_start3A_289 = arith.constant 128 : i32
      %dma_start3A_290 = arith.constant 0 : i32
      %dma_start3A_291 = tpu.memref_slice %arg7[%dma_start3A_289, %dma_start3A_290] : memref<512x64xf32, #tpu.memory_space<vmem>> -> memref<128x64xf32, #tpu.memory_space<vmem>>
      %dma_start3A_292 = tpu.memref_slice %arg5[%add3A_288] : memref<25600xi32, #tpu.memory_space<vmem>> -> memref<128xi32, #tpu.memory_space<vmem>>
      %dma_start3A_293 = arith.constant 0 : i32
      %dma_start3A_294 = arith.constant 0 : i32
      %dma_start3A_295 = tpu.memref_slice %arg3[%dma_start3A_293, %dma_start3A_294] : memref<1000000x64xf32, #tpu.memory_space<hbm>> -> memref<1000000x64xf32, #tpu.memory_space<hbm>>
      tpu.enqueue_indirect_dma source(%dma_start3A_295 : memref<1000000x64xf32, #tpu.memory_space<hbm>>) target(%dma_start3A_291 : memref<128x64xf32, #tpu.memory_space<vmem>>) offsets(%dma_start3A_292 : memref<128xi32, #tpu.memory_space<vmem>>) semaphore(%arg9 : memref<!tpu.dma_semaphore, #tpu.memory_space<semaphore_mem>>)
      %mul3A_296 = arith.constant 512 : i32
      %mul3A_297 = arith.muli %add3A_273, %mul3A_296 : i32
      %add3A_298 = arith.constant 256 : i32
      %add3A_299 = arith.addi %mul3A_297, %add3A_298 : i32
      %dma_start3A_300 = arith.constant 256 : i32
      %dma_start3A_301 = arith.constant 0 : i32
      %dma_start3A_302 = tpu.memref_slice %arg7[%dma_start3A_300, %dma_start3A_301] : memref<512x64xf32, #tpu.memory_space<vmem>> -> memref<128x64xf32, #tpu.memory_space<vmem>>
      %dma_start3A_303 = tpu.memref_slice %arg5[%add3A_299] : memref<25600xi32, #tpu.memory_space<vmem>> -> memref<128xi32, #tpu.memory_space<vmem>>
      %dma_start3A_304 = arith.constant 0 : i32
      %dma_start3A_305 = arith.constant 0 : i32
      %dma_start3A_306 = tpu.memref_slice %arg3[%dma_start3A_304, %dma_start3A_305] : memref<1000000x64xf32, #tpu.memory_space<hbm>> -> memref<1000000x64xf32, #tpu.memory_space<hbm>>
      tpu.enqueue_indirect_dma source(%dma_start3A_306 : memref<1000000x64xf32, #tpu.memory_space<hbm>>) target(%dma_start3A_302 : memref<128x64xf32, #tpu.memory_space<vmem>>) offsets(%dma_start3A_303 : memref<128xi32, #tpu.memory_space<vmem>>) semaphore(%arg9 : memref<!tpu.dma_semaphore, #tpu.memory_space<semaphore_mem>>)
      %mul3A_307 = arith.constant 512 : i32
      %mul3A_308 = arith.muli %add3A_273, %mul3A_307 : i32
      %add3A_309 = arith.constant 384 : i32
      %add3A_310 = arith.addi %mul3A_308, %add3A_309 : i32
      %dma_start3A_311 = arith.constant 384 : i32
      %dma_start3A_312 = arith.constant 0 : i32
      %dma_start3A_313 = tpu.memref_slice %arg7[%dma_start3A_311, %dma_start3A_312] : memref<512x64xf32, #tpu.memory_space<vmem>> -> memref<128x64xf32, #tpu.memory_space<vmem>>
      %dma_start3A_314 = tpu.memref_slice %arg5[%add3A_310] : memref<25600xi32, #tpu.memory_space<vmem>> -> memref<128xi32, #tpu.memory_space<vmem>>
      %dma_start3A_315 = arith.constant 0 : i32
      %dma_start3A_316 = arith.constant 0 : i32
      %dma_start3A_317 = tpu.memref_slice %arg3[%dma_start3A_315, %dma_start3A_316] : memref<1000000x64xf32, #tpu.memory_space<hbm>> -> memref<1000000x64xf32, #tpu.memory_space<hbm>>
      tpu.enqueue_indirect_dma source(%dma_start3A_317 : memref<1000000x64xf32, #tpu.memory_space<hbm>>) target(%dma_start3A_313 : memref<128x64xf32, #tpu.memory_space<vmem>>) offsets(%dma_start3A_314 : memref<128xi32, #tpu.memory_space<vmem>>) semaphore(%arg9 : memref<!tpu.dma_semaphore, #tpu.memory_space<semaphore_mem>>)
      %dma_wait3A_318 = arith.constant 0 : i32
      %dma_wait3A_319 = arith.constant 0 : i32
      %dma_wait3A_320 = tpu.memref_slice %arg6[%dma_wait3A_318, %dma_wait3A_319] : memref<512x64xf32, #tpu.memory_space<vmem>> -> memref<128x64xf32, #tpu.memory_space<vmem>>
      %dma_wait3A_321 = arith.constant 0 : i32
      %dma_wait3A_322 = tpu.memref_slice %arg5[%dma_wait3A_321] : memref<25600xi32, #tpu.memory_space<vmem>> -> memref<128xi32, #tpu.memory_space<vmem>>
      %dma_wait3A_323 = arith.constant 0 : i32
      %dma_wait3A_324 = arith.constant 0 : i32
      %dma_wait3A_325 = tpu.memref_slice %arg3[%dma_wait3A_323, %dma_wait3A_324] : memref<1000000x64xf32, #tpu.memory_space<hbm>> -> memref<1000000x64xf32, #tpu.memory_space<hbm>>
      tpu.wait_indirect_dma semaphore(%arg8 : memref<!tpu.dma_semaphore, #tpu.memory_space<semaphore_mem>>) src(%dma_wait3A_325 : memref<1000000x64xf32, #tpu.memory_space<hbm>>) dst(%dma_wait3A_320 : memref<128x64xf32, #tpu.memory_space<vmem>>)
      %dma_wait3A_326 = arith.constant 128 : i32
      %dma_wait3A_327 = arith.constant 0 : i32
      %dma_wait3A_328 = tpu.memref_slice %arg6[%dma_wait3A_326, %dma_wait3A_327] : memref<512x64xf32, #tpu.memory_space<vmem>> -> memref<128x64xf32, #tpu.memory_space<vmem>>
      %dma_wait3A_329 = arith.constant 0 : i32
      %dma_wait3A_330 = tpu.memref_slice %arg5[%dma_wait3A_329] : memref<25600xi32, #tpu.memory_space<vmem>> -> memref<128xi32, #tpu.memory_space<vmem>>
      %dma_wait3A_331 = arith.constant 0 : i32
      %dma_wait3A_332 = arith.constant 0 : i32
      %dma_wait3A_333 = tpu.memref_slice %arg3[%dma_wait3A_331, %dma_wait3A_332] : memref<1000000x64xf32, #tpu.memory_space<hbm>> -> memref<1000000x64xf32, #tpu.memory_space<hbm>>
      tpu.wait_indirect_dma semaphore(%arg8 : memref<!tpu.dma_semaphore, #tpu.memory_space<semaphore_mem>>) src(%dma_wait3A_333 : memref<1000000x64xf32, #tpu.memory_space<hbm>>) dst(%dma_wait3A_328 : memref<128x64xf32, #tpu.memory_space<vmem>>)
      %dma_wait3A_334 = arith.constant 256 : i32
      %dma_wait3A_335 = arith.constant 0 : i32
      %dma_wait3A_336 = tpu.memref_slice %arg6[%dma_wait3A_334, %dma_wait3A_335] : memref<512x64xf32, #tpu.memory_space<vmem>> -> memref<128x64xf32, #tpu.memory_space<vmem>>
      %dma_wait3A_337 = arith.constant 0 : i32
      %dma_wait3A_338 = tpu.memref_slice %arg5[%dma_wait3A_337] : memref<25600xi32, #tpu.memory_space<vmem>> -> memref<128xi32, #tpu.memory_space<vmem>>
      %dma_wait3A_339 = arith.constant 0 : i32
      %dma_wait3A_340 = arith.constant 0 : i32
      %dma_wait3A_341 = tpu.memref_slice %arg3[%dma_wait3A_339, %dma_wait3A_340] : memref<1000000x64xf32, #tpu.memory_space<hbm>> -> memref<1000000x64xf32, #tpu.memory_space<hbm>>
      tpu.wait_indirect_dma semaphore(%arg8 : memref<!tpu.dma_semaphore, #tpu.memory_space<semaphore_mem>>) src(%dma_wait3A_341 : memref<1000000x64xf32, #tpu.memory_space<hbm>>) dst(%dma_wait3A_336 : memref<128x64xf32, #tpu.memory_space<vmem>>)
      %dma_wait3A_342 = arith.constant 384 : i32
      %dma_wait3A_343 = arith.constant 0 : i32
      %dma_wait3A_344 = tpu.memref_slice %arg6[%dma_wait3A_342, %dma_wait3A_343] : memref<512x64xf32, #tpu.memory_space<vmem>> -> memref<128x64xf32, #tpu.memory_space<vmem>>
      %dma_wait3A_345 = arith.constant 0 : i32
      %dma_wait3A_346 = tpu.memref_slice %arg5[%dma_wait3A_345] : memref<25600xi32, #tpu.memory_space<vmem>> -> memref<128xi32, #tpu.memory_space<vmem>>
      %dma_wait3A_347 = arith.constant 0 : i32
      %dma_wait3A_348 = arith.constant 0 : i32
      %dma_wait3A_349 = tpu.memref_slice %arg3[%dma_wait3A_347, %dma_wait3A_348] : memref<1000000x64xf32, #tpu.memory_space<hbm>> -> memref<1000000x64xf32, #tpu.memory_space<hbm>>
      tpu.wait_indirect_dma semaphore(%arg8 : memref<!tpu.dma_semaphore, #tpu.memory_space<semaphore_mem>>) src(%dma_wait3A_349 : memref<1000000x64xf32, #tpu.memory_space<hbm>>) dst(%dma_wait3A_344 : memref<128x64xf32, #tpu.memory_space<vmem>>)
      %mul3A_350 = arith.constant 2 : i32
      %mul3A_351 = arith.muli %mul3A_350, %scan3A_158 : i32
      %add3A_352 = arith.constant 2 : i32
      %add3A_353 = arith.addi %mul3A_351, %add3A_352 : i32
      %mul3A_354 = arith.constant 512 : i32
      %mul3A_355 = arith.muli %add3A_353, %mul3A_354 : i32
      %add3A_356 = arith.addi %mul3A_2, %mul3A_355 : i32
      %dma_start3A_357 = arith.constant 0 : i32
      %dma_start3A_358 = tpu.memref_slice %arg4[%add3A_356, %dma_start3A_357] : memref<819200x128xf32, #tpu.memory_space<hbm>> -> memref<512x64xf32, #tpu.memory_space<hbm>>
      %dma_start3A_359 = arith.constant 0 : i32
      %dma_start3A_360 = tpu.memref_slice %arg4[%add3A_356, %dma_start3A_359] : memref<819200x128xf32, #tpu.memory_space<hbm>> -> memref<512x64xf32, #tpu.memory_space<hbm>>
      tpu.enqueue_dma source(%arg6 : memref<512x64xf32, #tpu.memory_space<vmem>>) target(%dma_start3A_360 : memref<512x64xf32, #tpu.memory_space<hbm>>) target_semaphore(%arg10 : memref<!tpu.dma_semaphore, #tpu.memory_space<semaphore_mem>>)
    }
    %scan3A_107 = arith.constant 24 : i32
    %dma_wait3A_108 = arith.constant 0 : i32
    %dma_wait3A_109 = arith.constant 0 : i32
    %dma_wait3A_110 = tpu.memref_slice %arg7[%dma_wait3A_108, %dma_wait3A_109] : memref<512x64xf32, #tpu.memory_space<vmem>> -> memref<128x64xf32, #tpu.memory_space<vmem>>
    %dma_wait3A_111 = arith.constant 0 : i32
    %dma_wait3A_112 = tpu.memref_slice %arg5[%dma_wait3A_111] : memref<25600xi32, #tpu.memory_space<vmem>> -> memref<128xi32, #tpu.memory_space<vmem>>
    %dma_wait3A_113 = arith.constant 0 : i32
    %dma_wait3A_114 = arith.constant 0 : i32
    %dma_wait3A_115 = tpu.memref_slice %arg3[%dma_wait3A_113, %dma_wait3A_114] : memref<1000000x64xf32, #tpu.memory_space<hbm>> -> memref<1000000x64xf32, #tpu.memory_space<hbm>>
    tpu.wait_indirect_dma semaphore(%arg9 : memref<!tpu.dma_semaphore, #tpu.memory_space<semaphore_mem>>) src(%dma_wait3A_115 : memref<1000000x64xf32, #tpu.memory_space<hbm>>) dst(%dma_wait3A_110 : memref<128x64xf32, #tpu.memory_space<vmem>>)
    %dma_wait3A_116 = arith.constant 128 : i32
    %dma_wait3A_117 = arith.constant 0 : i32
    %dma_wait3A_118 = tpu.memref_slice %arg7[%dma_wait3A_116, %dma_wait3A_117] : memref<512x64xf32, #tpu.memory_space<vmem>> -> memref<128x64xf32, #tpu.memory_space<vmem>>
    %dma_wait3A_119 = arith.constant 0 : i32
    %dma_wait3A_120 = tpu.memref_slice %arg5[%dma_wait3A_119] : memref<25600xi32, #tpu.memory_space<vmem>> -> memref<128xi32, #tpu.memory_space<vmem>>
    %dma_wait3A_121 = arith.constant 0 : i32
    %dma_wait3A_122 = arith.constant 0 : i32
    %dma_wait3A_123 = tpu.memref_slice %arg3[%dma_wait3A_121, %dma_wait3A_122] : memref<1000000x64xf32, #tpu.memory_space<hbm>> -> memref<1000000x64xf32, #tpu.memory_space<hbm>>
    tpu.wait_indirect_dma semaphore(%arg9 : memref<!tpu.dma_semaphore, #tpu.memory_space<semaphore_mem>>) src(%dma_wait3A_123 : memref<1000000x64xf32, #tpu.memory_space<hbm>>) dst(%dma_wait3A_118 : memref<128x64xf32, #tpu.memory_space<vmem>>)
    %dma_wait3A_124 = arith.constant 256 : i32
    %dma_wait3A_125 = arith.constant 0 : i32
    %dma_wait3A_126 = tpu.memref_slice %arg7[%dma_wait3A_124, %dma_wait3A_125] : memref<512x64xf32, #tpu.memory_space<vmem>> -> memref<128x64xf32, #tpu.memory_space<vmem>>
    %dma_wait3A_127 = arith.constant 0 : i32
    %dma_wait3A_128 = tpu.memref_slice %arg5[%dma_wait3A_127] : memref<25600xi32, #tpu.memory_space<vmem>> -> memref<128xi32, #tpu.memory_space<vmem>>
    %dma_wait3A_129 = arith.constant 0 : i32
    %dma_wait3A_130 = arith.constant 0 : i32
    %dma_wait3A_131 = tpu.memref_slice %arg3[%dma_wait3A_129, %dma_wait3A_130] : memref<1000000x64xf32, #tpu.memory_space<hbm>> -> memref<1000000x64xf32, #tpu.memory_space<hbm>>
    tpu.wait_indirect_dma semaphore(%arg9 : memref<!tpu.dma_semaphore, #tpu.memory_space<semaphore_mem>>) src(%dma_wait3A_131 : memref<1000000x64xf32, #tpu.memory_space<hbm>>) dst(%dma_wait3A_126 : memref<128x64xf32, #tpu.memory_space<vmem>>)
    %dma_wait3A_132 = arith.constant 384 : i32
    %dma_wait3A_133 = arith.constant 0 : i32
    %dma_wait3A_134 = tpu.memref_slice %arg7[%dma_wait3A_132, %dma_wait3A_133] : memref<512x64xf32, #tpu.memory_space<vmem>> -> memref<128x64xf32, #tpu.memory_space<vmem>>
    %dma_wait3A_135 = arith.constant 0 : i32
    %dma_wait3A_136 = tpu.memref_slice %arg5[%dma_wait3A_135] : memref<25600xi32, #tpu.memory_space<vmem>> -> memref<128xi32, #tpu.memory_space<vmem>>
    %dma_wait3A_137 = arith.constant 0 : i32
    %dma_wait3A_138 = arith.constant 0 : i32
    %dma_wait3A_139 = tpu.memref_slice %arg3[%dma_wait3A_137, %dma_wait3A_138] : memref<1000000x64xf32, #tpu.memory_space<hbm>> -> memref<1000000x64xf32, #tpu.memory_space<hbm>>
    tpu.wait_indirect_dma semaphore(%arg9 : memref<!tpu.dma_semaphore, #tpu.memory_space<semaphore_mem>>) src(%dma_wait3A_139 : memref<1000000x64xf32, #tpu.memory_space<hbm>>) dst(%dma_wait3A_134 : memref<128x64xf32, #tpu.memory_space<vmem>>)
    %add3A_140 = arith.constant 25088 : i32
    %add3A_141 = arith.addi %mul3A_2, %add3A_140 : i32
    %dma_start3A_142 = arith.constant 0 : i32
    %dma_start3A_143 = tpu.memref_slice %arg4[%add3A_141, %dma_start3A_142] : memref<819200x128xf32, #tpu.memory_space<hbm>> -> memref<512x64xf32, #tpu.memory_space<hbm>>
    %dma_start3A_144 = arith.constant 0 : i32
    %dma_start3A_145 = tpu.memref_slice %arg4[%add3A_141, %dma_start3A_144] : memref<819200x128xf32, #tpu.memory_space<hbm>> -> memref<512x64xf32, #tpu.memory_space<hbm>>
    tpu.enqueue_dma source(%arg7 : memref<512x64xf32, #tpu.memory_space<vmem>>) target(%dma_start3A_145 : memref<512x64xf32, #tpu.memory_space<hbm>>) target_semaphore(%arg11 : memref<!tpu.dma_semaphore, #tpu.memory_space<semaphore_mem>>)
    %add3A_146 = arith.constant 24576 : i32
    %add3A_147 = arith.addi %mul3A_2, %add3A_146 : i32
    %dma_wait3A_148 = arith.constant 0 : i32
    %dma_wait3A_149 = tpu.memref_slice %arg4[%add3A_147, %dma_wait3A_148] : memref<819200x128xf32, #tpu.memory_space<hbm>> -> memref<512x64xf32, #tpu.memory_space<hbm>>
    %dma_wait3A_150 = arith.constant 0 : i32
    %dma_wait3A_151 = tpu.memref_slice %arg4[%add3A_147, %dma_wait3A_150] : memref<819200x128xf32, #tpu.memory_space<hbm>> -> memref<512x64xf32, #tpu.memory_space<hbm>>
    tpu.wait_dma2 semaphore(%arg10 : memref<!tpu.dma_semaphore, #tpu.memory_space<semaphore_mem>>) src(%arg6 : memref<512x64xf32, #tpu.memory_space<vmem>>) dst(%dma_wait3A_151 : memref<512x64xf32, #tpu.memory_space<hbm>>)
    %add3A_152 = arith.constant 25088 : i32
    %add3A_153 = arith.addi %mul3A_2, %add3A_152 : i32
    %dma_wait3A_154 = arith.constant 0 : i32
    %dma_wait3A_155 = tpu.memref_slice %arg4[%add3A_153, %dma_wait3A_154] : memref<819200x128xf32, #tpu.memory_space<hbm>> -> memref<512x64xf32, #tpu.memory_space<hbm>>
    %dma_wait3A_156 = arith.constant 0 : i32
    %dma_wait3A_157 = tpu.memref_slice %arg4[%add3A_153, %dma_wait3A_156] : memref<819200x128xf32, #tpu.memory_space<hbm>> -> memref<512x64xf32, #tpu.memory_space<hbm>>
    tpu.wait_dma2 semaphore(%arg11 : memref<!tpu.dma_semaphore, #tpu.memory_space<semaphore_mem>>) src(%arg7 : memref<512x64xf32, #tpu.memory_space<vmem>>) dst(%dma_wait3A_157 : memref<512x64xf32, #tpu.memory_space<hbm>>)
    return
  }
}

</mosaic_0001>

<sc_bundles>
// kernel: _embed.3.cloned.1.call-start
scs
__scs_entry_jumppad:
0x0: {  	(pc) =	sbr.rel $0x88, $3  }
0x1: {  	(tag) =	ssettag $0x0;
	lr =	simm.s32 $0x1  }
0x2: {  	[smem:$0x3F9F] =	sst lr;
	_ =	strace $0xD0000000  }
0x3: {  	_ = 	snop  }
0x4: {  	_ = 	snop  }
0x5: {  	_ = 	snop  }
0x6: {  	_ = 	snop  }
0x7: {  	_ = 	snop  }
__scs_overlays_trampoline_lowered:
0x8: {  	[smem:$0x3FAE] =	sst s0  }
0x9: {  	[smem:$0x3FAF] =	sst s1  }
0xa: {  	[smem:$0x3FB0] =	sst s2  }
0xb: {  	[smem:$0x3FB1] =	sst s3  }
0xc: {  	[smem:$0x3FB2] =	sst s4  }
0xd: {  	[smem:$0x3FB3] =	sst s5  }
0xe: {  	[smem:$0x3FB4] =	sst s6  }
0xf: {  	[smem:$0x3FB5] =	sst s7  }
0x10: {  	[smem:$0x3FB6] =	sst s8  }
0x11: {  	[smem:$0x3FB7] =	sst s9;
	s0 =	simm.s32 @!p0 $0x0  }
0x12: {  	s1 =	sld [smem:$0x3F9D];
	s0 =	simm.s32 @p0 $0x1  }
0x13: {  	[smem:$0x3FB8] =	sst s0;
	s0 =	simm.s32 @!p1 $0x0  }
0x14: {  	s2 =	sld [smem:$0x3F9C];
	s0 =	simm.s32 @p1 $0x1  }
0x15: {  	[smem:$0x3FB9] =	sst s0;
	s0 =	simm.s32 @!p2 $0x0  }
0x16: {  	s3 =	sld [smem:$0x3FDB];
	s0 =	simm.s32 @p2 $0x1  }
0x17: {  	s4 =	simm.s32 $0x1BF5;
	[smem:$0x3FBB] =	sst s0  }
0x18: {  	s0 =	sld [smem:$0x3F9E];
	_ =	swait.ge [sflag:s4], $0x0  }
0x19: {  	s7 =	sld [smem:$0x3F9F]  }
0x1a: {  	s8 =	sadd.s32 $0xFFFFE003, lr  }
0x1b: {  	s9 =	sadd.s32 $0xFFFFFEF7, lr;
	s5 =	simm.s32 $0xFFFFFFFF;
	p2 =	slt.u32 s8, $0xFFFFF086  }
0x1c: {  	p1 =	slt.u32 s9, $0xF7A;
	s5 =	simm.s32 @!p2 $0x0  }
0x1d: {  	s5 =	simm.s32 @p1 $0x1;
	p0 =	seq.s32 s7, s2  }
0x1e: {  	s7 =	smul.u32 @!p0 $0xF7A, s2;
	p2 =	seq.s32 @!p0 s5, $0x0  }
0x1f: {  	s9 =	smul.u32 $0xF7A, s1;
	s8 =	simm.s32 @!p0 $0x1BF5;
	p2 =	por !p2, p0  }
0x20: {  	[sflag:s8] =	ssyncset.s32 @!p0 $0xFFFFF086;
	s6 =	sadd.s32 @!p0 s3, s7;
	s7 =	simm.s32 @!p0 $0x108  }
0x21: {  	s3 =	sadd.s32 s3, s9;
	s6 =	sadd.s32 @!p0 $0x88, s6;
	s7 =	simm.s32 @p2 $0x1082  }
0x22: {  	[simem:s7], [sflag:s8] =	dma.local @!p0 [hbm:s6], $0xF7A  }
0x23: {  	s9 =	sor.u32 $0xD0000000, s2;
	s6 =	simm.s32 $0x108;
	_ =	swait.ge @!p0 [sflag:s8], $0x0  }
0x24: {  	s3 =	sadd.s32 $0x88, s3;
	s6 =	simm.s32 @!p1 $0x1082;
	[sflag:s4] =	ssyncset.s32 $0xFFFFF086  }
0x25: {  	[simem:s6], [sflag:s4] =	dma.local [hbm:s3], $0xF7A  }
0x26: {  	[smem:$0x3F9F] =	sst s1;
	(tag) =	ssettag s2;
	_ =	strace s9  }
0x27: {  	s1 =	sld [smem:$0x3FAF]  }
0x28: {  	s2 =	sld [smem:$0x3FB0]  }
0x29: {  	s4 =	sld [smem:$0x3FB2]  }
0x2a: {  	p0 =	seq.s32 s5, $0x0;
	s5 =	sld [smem:$0x3FB3]  }
0x2b: {  	s6 =	sld [smem:$0x3FB4]  }
0x2c: {  	s7 =	sld [smem:$0x3FB5]  }
0x2d: {  	s3 =	simm.s32 $0x108;
	s8 =	sld [smem:$0x3FB6]  }
0x2e: {  	s3 =	simm.s32 @!p0 $0x1082;
	s9 =	sld [smem:$0x3FB7]  }
0x2f: {  	lr =	sadd.s32 s0, s3;
	s0 =	sld [smem:$0x3FAE]  }
0x30: {  	s3 =	sld [smem:$0x3FB1]  }
0x31: {  	[smem:$0x3FBA] =	sst s10  }
0x32: {  	s10 =	sld [smem:$0x3FB8];
	_ =	sdelay $0x3  }
0x33: {  	p0 =	seq.s32 s10, $0x1;
	s10 =	sld [smem:$0x3FBA];
	_ =	sdelay $0x3  }
0x34: {  	[smem:$0x3FBA] =	sst s10  }
0x35: {  	s10 =	sld [smem:$0x3FB9];
	_ =	sdelay $0x3  }
0x36: {  	p1 =	seq.s32 s10, $0x1;
	s10 =	sld [smem:$0x3FBA];
	_ =	sdelay $0x3  }
0x37: {  	[smem:$0x3FBA] =	sst s10  }
0x38: {  	s10 =	sld [smem:$0x3FBB]  }
0x39: {  	_ = 	snop;
	(pc) =	sbr.ind lr, $3  }
0x3a: {  	_ = 	snop  }
0x3b: {  	_ = 	snop  }
0x3c: {  	p2 =	seq.s32 s10, $0x1;
	s10 =	sld [smem:$0x3FBA]  }
0x3d: {  	_ =	shalt  }
0x3e: {  	_ =	shalt  }
0x3f: {  	_ =	shalt  }
0x40: {  	_ =	shalt  }
0x41: {  	_ =	shalt  }
0x42: {  	_ =	shalt  }
0x43: {  	_ =	shalt  }
0x44: {  	_ =	shalt  }
0x45: {  	_ =	shalt  }
0x46: {  	_ =	shalt  }
0x47: {  	_ =	shalt  }
0x48: {  	_ =	shalt  }
0x49: {  	_ =	shalt  }
0x4a: {  	_ =	shalt  }
0x4b: {  	_ =	shalt  }
0x4c: {  	_ =	shalt  }
0x4d: {  	_ =	shalt  }
0x4e: {  	_ =	shalt  }
0x4f: {  	_ =	shalt  }
0x50: {  	_ =	shalt  }
0x51: {  	_ =	shalt  }
0x52: {  	_ =	shalt  }
0x53: {  	_ =	shalt  }
0x54: {  	_ =	shalt  }
0x55: {  	_ =	shalt  }
0x56: {  	_ =	shalt  }
0x57: {  	_ =	shalt  }
0x58: {  	_ =	shalt  }
0x59: {  	_ =	shalt  }
0x5a: {  	_ =	shalt  }
0x5b: {  	_ =	shalt  }
0x5c: {  	_ =	shalt  }
0x5d: {  	_ =	shalt  }
0x5e: {  	_ =	shalt  }
0x5f: {  	_ =	shalt  }
0x60: {  	_ =	shalt  }
0x61: {  	_ =	shalt  }
0x62: {  	_ =	shalt  }
0x63: {  	_ =	shalt  }
0x64: {  	_ =	shalt  }
0x65: {  	_ =	shalt  }
0x66: {  	_ =	shalt  }
0x67: {  	_ =	shalt  }
0x68: {  	_ =	shalt  }
0x69: {  	_ =	shalt  }
0x6a: {  	_ =	shalt  }
0x6b: {  	_ =	shalt  }
0x6c: {  	_ =	shalt  }
0x6d: {  	_ =	shalt  }
0x6e: {  	_ =	shalt  }
0x6f: {  	_ =	shalt  }
0x70: {  	_ =	shalt  }
0x71: {  	_ =	shalt  }
0x72: {  	_ =	shalt  }
0x73: {  	_ =	shalt  }
0x74: {  	_ =	shalt  }
0x75: {  	_ =	shalt  }
0x76: {  	_ =	shalt  }
0x77: {  	_ =	shalt  }
0x78: {  	_ =	shalt  }
0x79: {  	_ =	shalt  }
0x7a: {  	_ =	shalt  }
0x7b: {  	_ =	shalt  }
0x7c: {  	_ =	shalt  }
0x7d: {  	_ =	shalt  }
0x7e: {  	_ =	shalt  }
0x7f: {  	_ =	shalt  }
0x80: {  	_ =	shalt  }
0x81: {  	_ =	shalt  }
0x82: {  	_ =	shalt  }
0x83: {  	_ =	shalt  }
0x84: {  	_ =	shalt  }
0x85: {  	_ =	shalt  }
0x86: {  	_ =	shalt  }
0x87: {  	_ =	shalt  }
.Lfunc_end0:
.L_simem_size_0:
called_computation_lowered:
.L_overlay_start_0:
0x88: {  	s2 =	sld [smem:$0x3FD9]  }
0x89: {  	s3 =	sld [smem:$0x3FFE];
	_ =	sdelay $0x1  }
0x8a: {  	s1 =	srdreg.scid  }
0x8b: {  	s0 =	sand.u32 $0x1, s1  }
0x8c: {  	s17 =	sshll.u32 s0, $0xA;
	s2 =	sadd.s32 s3, s2  }
0x8d: {  	s2 =	sadd.s32 s2, s17  }
0x8e: {  	[smem:$0x3FC6] =	sst s2  }
0x8f: {  	_ = 	snop  }
0x90: {  	s2 =	sld [smem:$0x3FC9]  }
0x91: {  	s18 =	sld [smem:$0x3FD0];
	(tm) =	ssettm $0x1  }
0x92: {  	s4 =	sld [smem:$0x3FFB];
	_ =	sdelay $0x3  }
0x93: {  	_ =	strace s4  }
0x94: {  	s4 =	sld [smem:$0x3FFC];
	_ =	sdelay $0x3  }
0x95: {  	_ =	strace s4  }
0x96: {  	s4 =	sld [smem:$0x3FFD];
	_ =	sdelay $0x3  }
0x97: {  	_ =	strace s4  }
0x98: {  	_ =	strace $0x8FFFFFFF  }
0x99: {  	s19 =	sld [smem:$0x3FDB];
	_ =	sdelay $0x1  }
0x9a: {  	s5 =	simm.s32 $_scs_section_size  }
0x9b: {  	s6 =	simm.s32 $_size__tile_overlayer_lowered;
	s7 =	simm.s32 $_tile_overlayer_lowered  }
0x9c: {  	s22 =	simm.s32 $0x1BFF;
	s21 =	sshll.u32 s7, $0x1;
	s4 =	sadd.s32 s5, s19  }
0x9d: {  	s8 =	simm.s32 $0x0;
	s20 =	sshll.u32 s6, $0x1;
	s6 =	sadd.s32 s21, s4  }
0x9e: {  	[timem:s8], [sflag:s22] =	dma.local [hbm:s6], s20  }
0x9f: {  	_ =	swait.ge [sflag:s22], s20  }
0xa0: {  	s5 =	ssub.s32 $0x0, s20;
	[sflag:s22] =	ssyncset.done $0x0  }
0xa1: {  	[sflag:s22] =	ssyncadd.s32 s5;
	_ =	sdelay $0x1  }
0xa2: {  	s23 =	simm.s32 $0x1B8B  }
0xa3: {  	_ =	swait.ge [sflag:s23], $0x1  }
0xa4: {  	[sflag:s23] =	ssyncset.done $0x0  }
0xa5: {  	s25 =	simm.s32 $0x1B8E;
	s24 =	sld [smem:$0x3FFE];
	[sflag:s23] =	ssyncadd.s32 $0xFFFFFFFF  }
0xa6: {  	s26 =	simm.s32 $execute0_lowered;
	[smem:$0x3FD2] =	sst s25  }
0xa7: {  	s6 =	sshll.u32 s26, $0x1;
	_ =	strace $0x80000046;
	[dreg:$0x1] =	wrdreg $0xFFFFFFFF  }
0xa8: {  	s28 =	simm.s32 $_size_execute0_lowered;
	s4 =	sadd.s32 s4, s6;
	[dreg:$0x0] =	wrdreg $0x0  }
0xa9: {  	s6 =	sshll.u32 s28, $0x1;
	[dreg:$0x2] =	wrdreg s4  }
0xaa: {  	[dreg:$0x3] =	wrdreg s6  }
0xab: {  	[dreg:$0x4] =	wrdreg $0xC0  }
0xac: {  	_ =	task [dreg:s8], $0x5FFFF  }
0xad: {  	[dreg:$0x1] =	wrdreg $0xFFFFFFFF  }
0xae: {  	[dreg:$0x0] =	wrdreg $0x60  }
0xaf: {  	[dreg:$0x2] =	wrdreg s2  }
0xb0: {  	[dreg:$0x3] =	wrdreg s24  }
0xb1: {  	[dreg:$0x4] =	wrdreg s18  }
0xb2: {  	[dreg:$0x5] =	wrdreg $0x9  }
0xb3: {  	_ =	task.clear_ibuf [dreg:s8], $0x6FFFF;
	_ =	strace $0x90000046  }
0xb4: {  	s29 =	simm.s32 $0x9;
	_ =	strace $0x80000048  }
0xb5: {  	_ =	swait.ge [sflag:s29], $0x1  }
0xb6: {  	[sflag:s29] =	ssyncadd.s32 $0xFFFFFFFF  }
0xb7: {  	_ =	strace $0x90000048  }
0xb8: {  	_ =	sfence  }
0xb9: {  	s30 =	sld [smem:$0x0];
	_ =	sdelay $0x2  }
0xba: {  	s31 =	sshll.u32 s1, $0xD;
	s1 =	sshrl.u32 s1, $0x2  }
0xbb: {  	s3 =	sand.u32 $0x4000, s31;
	s1 =	sadd.s32 s1, s30  }
0xbc: {  	s0 =	sor.u32 s3, s0;
	s1 =	sshll.u32 s1, $0x11  }
0xbd: {  	s0 =	sor.u32 s1, s0  }
0xbe: {  	s0 =	sadd.s32 $0x8F2B, s0  }
0xbf: {  	[sflag:s0] =	ssyncadd.remote.s32 $0x1  }
0xc0: {  	_ =	sfence.sel $0xFFFF  }
0xc1: {  	[dreg:$0x0] =	wrdreg $0xFFFFFFFF;
	(pc) =	sbr.abs _section_cstart, $3  }
0xc2: {  	[dreg:$0x1] =	wrdreg $0xFFFFFFFF  }
0xc3: {  	_ =	task.clear_ibuf [dreg:s8], $0x2FFFF;
	_ =	strace $0x9FFFFFFF  }
0xc4: {  	(tm) =	ssettm $0x7FFFFFFF  }
0xc5: {  	_ =	shalt  }
tec
execute0_lowered:
.L_overlay_start_1:
0x0: {  	(tag) =	ssettag $0x1  }
0x1: {  	s0 =	rddreg [dreg:$0x0];
	s1 =	srdreg.scid  }
0x2: {  	s9 =	stileid.u32;
	s3 =	rddreg [dreg:$0x1]  }
0x3: {  	s8 =	rddreg [dreg:$0x2];
	s11 =	simm.s32 $0x80;
	s12 =	simm.s32 $0x6400  }
0x4: {  	s13 =	simm.s32 $0x8400;
	s15 =	simm.s32 $0xA400;
	s17 =	simm.s32 $0xC400  }
0x5: {  	s19 =	simm.s32 $0xE400;
	s21 =	simm.s32 $0x10400;
	s23 =	simm.s32 $0x12400  }
0x6: {  	s28 =	simm.s32 $0x40;
	s29 =	simm.s32 $0x3;
	s30 =	simm.s32 $0x2  }
0x7: {  	s1 =	sand.u32 $0x1, s1;
	s2 =	sshll.u32 s9, $0x1;
	s9 =	smul.u32 $0xC800, s9  }
0x8: {  	s4 =	sor.u32 s1, s2;
	s7 =	ssub.s32 $0x2, s1;
	s1 =	smul.u32 $0x6400, s1  }
0x9: {  	s31 =	simm.s32 $0x4;
	s2 =	simm.s32 $0x0;
	s5 =	smul.u32 $0x6400, s4  }
0xa: {  	s3 =	sadd.s32 $0xF42800, s3;
	[smem:$0x7FF] =	sst s2;
	s6 =	smul.u32 $0x320000, s4  }
0xb: {  	s10 =	sshrl.u32 s7, $0x1;
	s24 =	smul.u32 $0x64000, s4;
	_ =	strace $0x80000047  }
0xc: {  	s7 =	ssub.s32 s7, s10;
	s1 =	sadd.s32 s1, s9;
	s10 =	simm.s32 $0x5  }
0xd: {  	s5 =	sshrl.u32 s5, $0x3;
	s25 =	sshrl.u32 s6, $0x3;
	s1 =	sshll.u32 s1, $0x4  }
0xe: {  	s7 =	smax.u32 s7, $0x1;
	s4 =	sadd.s32 s0, s5;
	s5 =	sadd.s32 s8, s24  }
0xf: {  	s0 =	sadd.s32 s8, s25;
	s26 =	sadd.s32 s8, s1;
	s24 =	simm.s32 $0x380  }
0x10: {  	s25 =	simm.s32 $0x14400;
	s1 =	simm.s32 $0x0;
	s6 =	sadd.s32 $0x62000, s0  }
0x11: {  	s8 =	sadd.s32 $0x2000, s26;
	s18 =	sadd.s32 $0x4000, s26;
	s26 =	simm.s32 $0x1  }
.LBB2_1:
0x12: {  	[tilespmem:s2], [sflag:$0x5] =	stream.linear.gather [hbm4b:s4+s2], $0x6400, $0x38;
	[tilespmem:$0x16400] =	vst v63  }
0x13: {  	_ =	swait.ge [sflag:s10], $0x6400  }
0x14: {  	[sflag:s10] =	ssyncset.done $0x0  }
0x15: {  	[sflag:s10] =	ssyncadd.s32 $0xFFFF9C00  }
0x16: {  	[tilespmem:s12], [sflag:$0x1] =	stream.indirect.gather [hbm4b:s3+s11], $0x40, s2, s11, $0xb8;
	[tilespmem:$0x16400] =	vst v63  }
0x17: {  	_ = 	snop  }
0x18: {  	[tilespmem:s13], [sflag:$0x1] =	stream.indirect.gather [hbm4b:s3+s11], $0x40, s11, s11, $0xb8;
	[tilespmem:$0x16400] =	vst v63  }
0x19: {  	s0 =	simm.s32 $0x100  }
0x1a: {  	[tilespmem:s15], [sflag:$0x1] =	stream.indirect.gather [hbm4b:s3+s11], $0x40, s0, s11, $0xb8;
	[tilespmem:$0x16400] =	vst v63  }
0x1b: {  	s20 =	simm.s32 $0x180  }
0x1c: {  	[tilespmem:s17], [sflag:$0x1] =	stream.indirect.gather [hbm4b:s3+s11], $0x40, s20, s11, $0xb8;
	[tilespmem:$0x16400] =	vst v63  }
0x1d: {  	s22 =	simm.s32 $0x200  }
0x1e: {  	[tilespmem:s19], [sflag:$0x2] =	stream.indirect.gather [hbm4b:s3+s11], $0x40, s22, s11, $0xb8;
	[tilespmem:$0x16400] =	vst v63  }
0x1f: {  	s9 =	simm.s32 $0x280  }
0x20: {  	[tilespmem:s21], [sflag:$0x2] =	stream.indirect.gather [hbm4b:s3+s11], $0x40, s9, s11, $0xb8;
	[tilespmem:$0x16400] =	vst v63  }
0x21: {  	s14 =	simm.s32 $0x300  }
0x22: {  	[tilespmem:s23], [sflag:$0x2] =	stream.indirect.gather [hbm4b:s3+s11], $0x40, s14, s11, $0xb8;
	[tilespmem:$0x16400] =	vst v63  }
0x23: {  	_ = 	snop  }
0x24: {  	[tilespmem:s25], [sflag:$0x2] =	stream.indirect.gather [hbm4b:s3+s11], $0x40, s24, s11, $0xb8;
	[tilespmem:$0x16400] =	vst v63  }
0x25: {  	_ =	swait.ge [sflag:s26], $0x2000  }
0x26: {  	[sflag:s26] =	ssyncset.done $0x0  }
0x27: {  	[sflag:s26] =	ssyncadd.s32 $0xFFFFE000  }
0x28: {  	_ =	swait.ge [sflag:s26], $0x2000  }
0x29: {  	[sflag:s26] =	ssyncset.done $0x0  }
0x2a: {  	[sflag:s26] =	ssyncadd.s32 $0xFFFFE000  }
0x2b: {  	_ =	swait.ge [sflag:s26], $0x2000  }
0x2c: {  	[sflag:s26] =	ssyncset.done $0x0  }
0x2d: {  	[sflag:s26] =	ssyncadd.s32 $0xFFFFE000  }
0x2e: {  	_ =	swait.ge [sflag:s26], $0x2000  }
0x2f: {  	[sflag:s26] =	ssyncset.done $0x0  }
0x30: {  	[sflag:s26] =	ssyncadd.s32 $0xFFFFE000  }
0x31: {  	[hbm4b:s5+s28] =	stream.strided.scatter [tilespmem:s12], [sflag:$0x3], $0x8000, s11, s28, $0x38;
	[tilespmem:$0x16400] =	vst v63  }
0x32: {  	_ =	swait.ge [sflag:s29], $0x8000  }
0x33: {  	[sflag:s29] =	ssyncset.done $0x0  }
0x34: {  	s16 =	simm.s32 $0x400;
	[sflag:s29] =	ssyncadd.s32 $0xFFFF8000  }
0x35: {  	[tilespmem:s12], [sflag:$0x1] =	stream.indirect.gather [hbm4b:s3+s11], $0x40, s16, s11, $0xb8;
	[tilespmem:$0x16400] =	vst v63  }
0x36: {  	s20 =	simm.s32 $0x480  }
0x37: {  	[tilespmem:s13], [sflag:$0x1] =	stream.indirect.gather [hbm4b:s3+s11], $0x40, s20, s11, $0xb8;
	[tilespmem:$0x16400] =	vst v63  }
0x38: {  	s22 =	simm.s32 $0x500  }
0x39: {  	[tilespmem:s15], [sflag:$0x1] =	stream.indirect.gather [hbm4b:s3+s11], $0x40, s22, s11, $0xb8;
	[tilespmem:$0x16400] =	vst v63  }
0x3a: {  	s9 =	simm.s32 $0x580  }
0x3b: {  	[tilespmem:s17], [sflag:$0x1] =	stream.indirect.gather [hbm4b:s3+s11], $0x40, s9, s11, $0xb8;
	[tilespmem:$0x16400] =	vst v63  }
0x3c: {  	_ =	swait.ge [sflag:s30], $0x2000  }
0x3d: {  	[sflag:s30] =	ssyncset.done $0x0  }
0x3e: {  	[sflag:s30] =	ssyncadd.s32 $0xFFFFE000  }
0x3f: {  	_ =	swait.ge [sflag:s30], $0x2000  }
0x40: {  	[sflag:s30] =	ssyncset.done $0x0  }
0x41: {  	[sflag:s30] =	ssyncadd.s32 $0xFFFFE000  }
0x42: {  	_ =	swait.ge [sflag:s30], $0x2000  }
0x43: {  	[sflag:s30] =	ssyncset.done $0x0  }
0x44: {  	[sflag:s30] =	ssyncadd.s32 $0xFFFFE000  }
0x45: {  	_ =	swait.ge [sflag:s30], $0x2000  }
0x46: {  	[sflag:s30] =	ssyncset.done $0x0  }
0x47: {  	[sflag:s30] =	ssyncadd.s32 $0xFFFFE000  }
0x48: {  	[hbm4b:s8+s28] =	stream.strided.scatter [tilespmem:s19], [sflag:$0x4], $0x8000, s11, s28, $0x38;
	[tilespmem:$0x16400] =	vst v63  }
0x49: {  	_ =	swait.ge [sflag:s31], $0x8000  }
0x4a: {  	[sflag:s31] =	ssyncset.done $0x0  }
0x4b: {  	s14 =	simm.s32 $0x600;
	[sflag:s31] =	ssyncadd.s32 $0xFFFF8000  }
0x4c: {  	[tilespmem:s19], [sflag:$0x2] =	stream.indirect.gather [hbm4b:s3+s11], $0x40, s14, s11, $0xb8;
	[tilespmem:$0x16400] =	vst v63  }
0x4d: {  	s16 =	simm.s32 $0x680  }
0x4e: {  	[tilespmem:s21], [sflag:$0x2] =	stream.indirect.gather [hbm4b:s3+s11], $0x40, s16, s11, $0xb8;
	[tilespmem:$0x16400] =	vst v63  }
0x4f: {  	s20 =	simm.s32 $0x700  }
0x50: {  	[tilespmem:s23], [sflag:$0x2] =	stream.indirect.gather [hbm4b:s3+s11], $0x40, s20, s11, $0xb8;
	[tilespmem:$0x16400] =	vst v63  }
0x51: {  	s22 =	simm.s32 $0x780  }
0x52: {  	[tilespmem:s25], [sflag:$0x2] =	stream.indirect.gather [hbm4b:s3+s11], $0x40, s22, s11, $0xb8;
	[tilespmem:$0x16400] =	vst v63  }
0x53: {  	_ =	swait.ge [sflag:s26], $0x2000  }
0x54: {  	[sflag:s26] =	ssyncset.done $0x0  }
0x55: {  	[sflag:s26] =	ssyncadd.s32 $0xFFFFE000  }
0x56: {  	_ =	swait.ge [sflag:s26], $0x2000  }
0x57: {  	[sflag:s26] =	ssyncset.done $0x0  }
0x58: {  	[sflag:s26] =	ssyncadd.s32 $0xFFFFE000  }
0x59: {  	_ =	swait.ge [sflag:s26], $0x2000  }
0x5a: {  	[sflag:s26] =	ssyncset.done $0x0  }
0x5b: {  	[sflag:s26] =	ssyncadd.s32 $0xFFFFE000  }
0x5c: {  	_ =	swait.ge [sflag:s26], $0x2000  }
0x5d: {  	s0 =	simm.s32 $0x1000;
	s9 =	smov.u32 s18;
	[sflag:s26] =	ssyncset.done $0x0  }
0x5e: {  	s14 =	sadd.s32 $0x4000, s8;
	s16 =	sadd.s32 $0x4000, s18;
	[sflag:s26] =	ssyncadd.s32 $0xFFFFE000  }
.LBB2_2:
0x5f: {  	[hbm4b:s9+s28] =	stream.strided.scatter [tilespmem:s12], [sflag:$0x3], $0x8000, s11, s28, $0x38;
	[tilespmem:$0x16400] =	vst v63  }
0x60: {  	s20 =	smov.u32 s0;
	s9 =	smov.u32 s16  }
0x61: {  	p0 =	sne.s32 s0, $0x17000;
	s0 =	sadd.s32 $0x1000, s0;
	_ =	swait.ge [sflag:s29], $0x8000  }
0x62: {  	s20 =	sshra.s32 s20, $0x2;
	[sflag:s29] =	ssyncset.done $0x0  }
0x63: {  	s22 =	sadd.s32 $0x400, s20;
	[sflag:s29] =	ssyncadd.s32 $0xFFFF8000  }
0x64: {  	[tilespmem:s12], [sflag:$0x1] =	stream.indirect.gather [hbm4b:s3+s11], $0x40, s22, s11, $0xb8;
	[tilespmem:$0x16400] =	vst v63  }
0x65: {  	s22 =	sadd.s32 $0x480, s20  }
0x66: {  	[tilespmem:s13], [sflag:$0x1] =	stream.indirect.gather [hbm4b:s3+s11], $0x40, s22, s11, $0xb8;
	[tilespmem:$0x16400] =	vst v63  }
0x67: {  	s22 =	sadd.s32 $0x500, s20  }
0x68: {  	[tilespmem:s15], [sflag:$0x1] =	stream.indirect.gather [hbm4b:s3+s11], $0x40, s22, s11, $0xb8;
	[tilespmem:$0x16400] =	vst v63  }
0x69: {  	s22 =	sadd.s32 $0x580, s20  }
0x6a: {  	[tilespmem:s17], [sflag:$0x1] =	stream.indirect.gather [hbm4b:s3+s11], $0x40, s22, s11, $0xb8;
	[tilespmem:$0x16400] =	vst v63  }
0x6b: {  	_ =	swait.ge [sflag:s30], $0x2000  }
0x6c: {  	[sflag:s30] =	ssyncset.done $0x0  }
0x6d: {  	[sflag:s30] =	ssyncadd.s32 $0xFFFFE000  }
0x6e: {  	_ =	swait.ge [sflag:s30], $0x2000  }
0x6f: {  	[sflag:s30] =	ssyncset.done $0x0  }
0x70: {  	[sflag:s30] =	ssyncadd.s32 $0xFFFFE000  }
0x71: {  	_ =	swait.ge [sflag:s30], $0x2000  }
0x72: {  	[sflag:s30] =	ssyncset.done $0x0  }
0x73: {  	[sflag:s30] =	ssyncadd.s32 $0xFFFFE000  }
0x74: {  	_ =	swait.ge [sflag:s30], $0x2000  }
0x75: {  	[sflag:s30] =	ssyncset.done $0x0  }
0x76: {  	[sflag:s30] =	ssyncadd.s32 $0xFFFFE000  }
0x77: {  	[hbm4b:s14+s28] =	stream.strided.scatter [tilespmem:s19], [sflag:$0x4], $0x8000, s11, s28, $0x38;
	[tilespmem:$0x16400] =	vst v63  }
0x78: {  	_ =	swait.ge [sflag:s31], $0x8000  }
0x79: {  	[sflag:s31] =	ssyncset.done $0x0  }
0x7a: {  	s22 =	sadd.s32 $0x600, s20;
	[sflag:s31] =	ssyncadd.s32 $0xFFFF8000  }
0x7b: {  	[tilespmem:s19], [sflag:$0x2] =	stream.indirect.gather [hbm4b:s3+s11], $0x40, s22, s11, $0xb8;
	[tilespmem:$0x16400] =	vst v63  }
0x7c: {  	s22 =	sadd.s32 $0x680, s20  }
0x7d: {  	[tilespmem:s21], [sflag:$0x2] =	stream.indirect.gather [hbm4b:s3+s11], $0x40, s22, s11, $0xb8;
	[tilespmem:$0x16400] =	vst v63  }
0x7e: {  	s22 =	sadd.s32 $0x700, s20  }
0x7f: {  	[tilespmem:s23], [sflag:$0x2] =	stream.indirect.gather [hbm4b:s3+s11], $0x40, s22, s11, $0xb8;
	[tilespmem:$0x16400] =	vst v63  }
0x80: {  	s20 =	sadd.s32 $0x780, s20  }
0x81: {  	[tilespmem:s25], [sflag:$0x2] =	stream.indirect.gather [hbm4b:s3+s11], $0x40, s20, s11, $0xb8;
	[tilespmem:$0x16400] =	vst v63  }
0x82: {  	_ =	swait.ge [sflag:s26], $0x2000  }
0x83: {  	[sflag:s26] =	ssyncset.done $0x0  }
0x84: {  	[sflag:s26] =	ssyncadd.s32 $0xFFFFE000  }
0x85: {  	_ =	swait.ge [sflag:s26], $0x2000  }
0x86: {  	[sflag:s26] =	ssyncset.done $0x0  }
0x87: {  	[sflag:s26] =	ssyncadd.s32 $0xFFFFE000  }
0x88: {  	_ =	swait.ge [sflag:s26], $0x2000  }
.Ltmp0:
0x89: {  	[sflag:s26] =	ssyncset.done $0x0;
	(pc) =	sbr.rel @p0 .LBB2_2-.Ltmp0, $4  }
0x8a: {  	[sflag:s26] =	ssyncadd.s32 $0xFFFFE000  }
0x8b: {  	_ =	swait.ge [sflag:s26], $0x2000  }
0x8c: {  	[sflag:s26] =	ssyncset.done $0x0  }
0x8d: {  	s16 =	sadd.s32 $0x4000, s16;
	s14 =	sadd.s32 $0x4000, s14;
	[sflag:s26] =	ssyncadd.s32 $0xFFFFE000  }
0x8e: {  	[hbm4b:s9+s28] =	stream.strided.scatter [tilespmem:s12], [sflag:$0x3], $0x8000, s11, s28, $0x38;
	[tilespmem:$0x16400] =	vst v63  }
0x8f: {  	_ =	swait.ge [sflag:s30], $0x2000  }
0x90: {  	[sflag:s30] =	ssyncset.done $0x0  }
0x91: {  	[sflag:s30] =	ssyncadd.s32 $0xFFFFE000  }
0x92: {  	_ =	swait.ge [sflag:s30], $0x2000  }
0x93: {  	[sflag:s30] =	ssyncset.done $0x0  }
0x94: {  	[sflag:s30] =	ssyncadd.s32 $0xFFFFE000  }
0x95: {  	_ =	swait.ge [sflag:s30], $0x2000  }
0x96: {  	[sflag:s30] =	ssyncset.done $0x0  }
0x97: {  	[sflag:s30] =	ssyncadd.s32 $0xFFFFE000  }
0x98: {  	_ =	swait.ge [sflag:s30], $0x2000  }
0x99: {  	[sflag:s30] =	ssyncset.done $0x0  }
0x9a: {  	s1 =	sadd.s32 $0x1, s1;
	[sflag:s30] =	ssyncadd.s32 $0xFFFFE000  }
0x9b: {  	[hbm4b:s6+s28] =	stream.strided.scatter [tilespmem:s19], [sflag:$0x4], $0x8000, s11, s28, $0x38;
	[tilespmem:$0x16400] =	vst v63  }
0x9c: {  	p0 =	sne.s32 s1, s7;
	_ =	swait.ge [sflag:s29], $0x8000  }
.Ltmp1:
0x9d: {  	[sflag:s29] =	ssyncset.done $0x0;
	(pc) =	sbr.rel @p0 .LBB2_1-.Ltmp1, $4  }
0x9e: {  	[sflag:s29] =	ssyncadd.s32 $0xFFFF8000  }
0x9f: {  	_ =	swait.ge [sflag:s31], $0x8000  }
0xa0: {  	[sflag:s31] =	ssyncset.done $0x0  }
0xa1: {  	[sflag:s31] =	ssyncadd.s32 $0xFFFF8000  }
0xa2: {  	_ =	sfence.sel $0x180000  }
0xa3: {  	[bflag:$0x0] =	sbarrier.arrive $0xFFFF  }
0xa4: {  	_ =	strace $0x90000047  }
0xa5: {  	s0 =	stileid.u32;
	[bflag:$0x2] =	sbarrier.arrive $0xFFFF  }
0xa6: {  	p0 =	sne.s32 s0, $0x0;
	s0 =	rddreg [dreg:$0x3]  }
0xa7: {  	s0 =	sadd.s32 @!p0 $0x100000, s0  }
0xa8: {  	[sflag:s0] =	ssyncadd.tile.s32 @!p0 $0x1;
	_ =	shalt  }
.Lfunc_end2:
_tile_overlayer_lowered:
.L_overlay_start_2:
0xa9: {  	(tag) =	ssettag $0x2  }
0xaa: {  	s0 =	rddreg [dreg:$0x0];
	s2 =	stileid.u32  }
0xab: {  	s1 =	rddreg [dreg:$0x1];
	p0 =	sne.s32 s2, $0x0  }
0xac: {  	s3 =	rddreg [dreg:$0x2];
	[bflag:$0x3] =	sbarrier.arrive $0xFFFF;
	s2 =	simm.s32 @!p0 $0x1C05  }
0xad: {  	[timem:s3], [sflag:s2] =	dma.local @!p0 [hbm:s0], s1  }
0xae: {  	s0 =	simm.s32 @!p0 $0x5  }
0xaf: {  	_ =	swait.ge @!p0 [sflag:s0], s1  }
0xb0: {  	s1 =	ssub.s32 @!p0 $0x0, s1;
	[sflag:s0] =	ssyncset.done @!p0 $0x0  }
0xb1: {  	[sflag:s0] =	ssyncadd.s32 @!p0 s1  }
0xb2: {  	[bflag:$0x3] =	sbarrier.arrive $0xFFFF  }
0xb3: {  	_ =	shalt  }

</sc_bundles>
